<compile_context>
chip_gen: v7x
topology: tpu7x:2x2x1
jax: 0.10.2.dev20260603
libtpu: 0.0.44.dev20260713+nightly
codegen_flags: <defaults>
</compile_context>

<pallas_src>
import functools
import jax
import jax.numpy as jnp
from jax import lax
from jax.experimental import pallas as pl
from jax.experimental.pallas import tpu as pltpu
from jax.experimental.pallas import tpu_sc as plsc

VOCAB_SIZE = 75
D_MODEL = 128
MAX_SEQ_LEN = 200
BATCH = 1024
PAD_IDX = 2

NUM_CORES = 2
NUM_SUBCORES = 16
NUM_WORKERS = NUM_CORES * NUM_SUBCORES
ROWS_TOTAL = BATCH * MAX_SEQ_LEN
ROWS_PER_WORKER = ROWS_TOTAL // NUM_WORKERS
CHUNK = 64
NCHUNKS = ROWS_PER_WORKER // CHUNK
RING = 4
PE_ROWS = MAX_SEQ_LEN + CHUNK - 8
VECS_PER_ROW = D_MODEL // 16


def _pos_encoding():
    even_i = jnp.arange(0, D_MODEL, 2, dtype=jnp.float32)
    denominator = jnp.power(10000.0, even_i / D_MODEL)
    pos = jnp.arange(MAX_SEQ_LEN, dtype=jnp.float32).reshape(MAX_SEQ_LEN, 1)
    even_pe = jnp.sin(pos / denominator)
    odd_pe = jnp.cos(pos / denominator)
    stacked = jnp.stack([even_pe, odd_pe], axis=2)
    return stacked.reshape(MAX_SEQ_LEN, D_MODEL)


def _sc_embed(tokens_flat, table, pe2):
    mesh = plsc.VectorSubcoreMesh(core_axis_name="c", subcore_axis_name="s")

    @functools.partial(
        pl.kernel,
        mesh=mesh,
        out_type=jax.ShapeDtypeStruct((ROWS_TOTAL, D_MODEL), jnp.float32),
        scratch_types=[
            pltpu.VMEM((ROWS_PER_WORKER,), jnp.int32),
            pltpu.VMEM_SHARED((VOCAB_SIZE, D_MODEL), jnp.float32),
            pltpu.VMEM((RING, CHUNK, D_MODEL), jnp.float32),
            pltpu.VMEM((PE_ROWS, D_MODEL), jnp.float32),
            pltpu.SemaphoreType.DMA,
        ]
        + [pltpu.SemaphoreType.DMA] * (2 * RING),
    )
    def k(tok_hbm, table_hbm, pe2_hbm, out_hbm,
          idx_v, table_v, rows_v, pe_v, psem, *sems):
        gsems = sems[:RING]
        wsems = sems[RING:]
        wid = lax.axis_index("s") * NUM_CORES + lax.axis_index("c")
        wbase = wid * ROWS_PER_WORKER

        pe_copy = pltpu.make_async_copy(pe2_hbm, pe_v, psem)
        pe_copy.start()
        pltpu.sync_copy(tok_hbm.at[pl.ds(wbase, ROWS_PER_WORKER)], idx_v)

        @pl.when(lax.axis_index("s") == 0)
        def _():
            pltpu.sync_copy(table_hbm, table_v)

        plsc.subcore_barrier()

        def gather_copy(c, p):
            return pltpu.make_async_copy(
                table_v.at[idx_v.at[pl.ds(c * CHUNK, CHUNK)]],
                rows_v.at[p], gsems[p])

        def wb_copy(c, p):
            return pltpu.make_async_copy(
                rows_v.at[p], out_hbm.at[pl.ds(wbase + c * CHUNK, CHUNK)],
                wsems[p])

        def add_chunk(c, p):
            pe_off = lax.rem(c * CHUNK, MAX_SEQ_LEN)

            @plsc.parallel_loop(0, CHUNK, 1, unroll=4)
            def _(r):
                for d in range(VECS_PER_ROW):
                    plsc.addupdate(rows_v.at[p, r, pl.ds(d * 16, 16)],
                                   pe_v[pe_off + r, pl.ds(d * 16, 16)])

        gather_copy(0, 0).start()
        gather_copy(1, 1).start()
        pe_copy.wait()

        def group_body(cc, _):
            for j in range(RING):
                c = RING * cc + j
                gather_copy(c, j).wait()

                @pl.when(c >= 2)
                def _():
                    wb_copy(c - 2, (j + 2) % RING).wait()

                @pl.when(c + 2 < NCHUNKS)
                def _():
                    gather_copy(c + 2, (j + 2) % RING).start()

                add_chunk(c, j)
                wb_copy(c, j).start()
            return 0

        lax.fori_loop(0, NCHUNKS // RING, group_body, 0)
        wb_copy(NCHUNKS - 2, (NCHUNKS - 2) % RING).wait()
        wb_copy(NCHUNKS - 1, (NCHUNKS - 1) % RING).wait()

    return k(tokens_flat, table, pe2)


def kernel(tokens, table):
    tokens_flat = tokens.astype(jnp.int32).reshape(ROWS_TOTAL)
    table_z = table.at[PAD_IDX].set(0.0)
    pe = _pos_encoding()
    pe2 = jnp.concatenate([pe, pe[: PE_ROWS - MAX_SEQ_LEN]], axis=0)
    out = _sc_embed(tokens_flat, table_z, pe2)
    return out.reshape(BATCH, MAX_SEQ_LEN, D_MODEL)

# --- scband reference (transcript-rebuilt; emitter-appended) ---
"""Pipeline reference for scband-sentence-embedding-31791347925266 (READ-ONLY COPY).

The authoritative reference and input builder live on the scoring server;
editing this copy changes nothing except your own understanding.
"""

import jax, jax.numpy as jnp
import numpy as np

VOCAB_SIZE = 75
D_MODEL = 128
MAX_SEQ_LEN = 200
BATCH = 1024
PAD_IDX = 2


def get_positional_encoding(max_seq_len, d_model):
    even_i = jnp.arange(0, d_model, 2, dtype=jnp.float32)
    denominator = jnp.power(10000.0, even_i / d_model)
    pos = jnp.arange(max_seq_len, dtype=jnp.float32).reshape(max_seq_len, 1)
    even_pe = jnp.sin(pos / denominator)
    odd_pe = jnp.cos(pos / denominator)
    stacked = jnp.stack([even_pe, odd_pe], axis=2)
    pe = stacked.reshape(max_seq_len, d_model)
    return pe


def setup_inputs(seed: int = 0) -> dict:
    key = jax.random.key(seed)
    k1, k2 = jax.random.split(key)
    tokens = jax.random.randint(k1, (BATCH, MAX_SEQ_LEN), 0, VOCAB_SIZE, dtype=jnp.int64 if jax.config.jax_enable_x64 else jnp.int32)
    table = jax.random.normal(k2, (VOCAB_SIZE, D_MODEL), dtype=jnp.float32)
    return {"tokens": tokens, "table": table}


def reference(tokens, table):
    # nn.Embedding with padding_idx: the padding row embeds to zeros
    table = table.at[PAD_IDX].set(0.0)
    emb = jnp.take(table, tokens, axis=0)  # [B, L, D] gather
    pe = get_positional_encoding(MAX_SEQ_LEN, D_MODEL)  # [L, D]
    x = emb + pe[None, :, :]
    # dropout in eval mode is identity
    return x

if __name__ == "__main__":
    import jax
    _d = setup_inputs()
    print(jax.jit(kernel)(*tuple(_d.values())))

</pallas_src>

<mosaic_0001>
#map = affine_map<(d0, d1) -> (0)>
#map1 = affine_map<(d0, d1) -> (0, 0)>
module attributes {stable_mosaic.version = 14 : i64} {
  func.func @k(%arg0: i32, %arg1: i32, %arg2: memref<204800xi32, #tpu.memory_space<hbm>>, %arg3: memref<75x128xf32, #tpu.memory_space<hbm>>, %arg4: memref<256x128xf32, #tpu.memory_space<hbm>>, %arg5: memref<204800x128xf32, #tpu.memory_space<hbm>>, %arg6: memref<6400xi32, #tpu.memory_space<vmem>>, %arg7: memref<75x128xf32, #tpu.memory_space<vmem_shared>>, %arg8: memref<4x64x128xf32, #tpu.memory_space<vmem>>, %arg9: memref<256x128xf32, #tpu.memory_space<vmem>>, %arg10: memref<!tpu.dma_semaphore, #tpu.memory_space<semaphore_mem>>, %arg11: memref<!tpu.dma_semaphore, #tpu.memory_space<semaphore_mem>>, %arg12: memref<!tpu.dma_semaphore, #tpu.memory_space<semaphore_mem>>, %arg13: memref<!tpu.dma_semaphore, #tpu.memory_space<semaphore_mem>>, %arg14: memref<!tpu.dma_semaphore, #tpu.memory_space<semaphore_mem>>, %arg15: memref<!tpu.dma_semaphore, #tpu.memory_space<semaphore_mem>>, %arg16: memref<!tpu.dma_semaphore, #tpu.memory_space<semaphore_mem>>, %arg17: memref<!tpu.dma_semaphore, #tpu.memory_space<semaphore_mem>>, %arg18: memref<!tpu.dma_semaphore, #tpu.memory_space<semaphore_mem>>) attributes {dimension_semantics = [#tpu.dimension_semantics<core_parallel>, #tpu.dimension_semantics<subcore_parallel>], iteration_bounds = array<i64: 2, 16>, scalar_prefetch = 0 : i64, scratch_operands = 13 : i64, tpu.core_type = #tpu.core_type<sc_vector_subcore>, window_params = [{transform_indices = #map}, {transform_indices = #map1}, {transform_indices = #map1}, {transform_indices = #map1}]} {
    %mul3A = arith.constant 2 : i32
    %mul3A_0 = arith.muli %arg1, %mul3A : i32
    %add3A = arith.addi %mul3A_0, %arg0 : i32
    %mul3A_1 = arith.constant 6400 : i32
    %mul3A_2 = arith.muli %add3A, %mul3A_1 : i32
    tpu.enqueue_dma source(%arg4 : memref<256x128xf32, #tpu.memory_space<hbm>>) target(%arg9 : memref<256x128xf32, #tpu.memory_space<vmem>>) target_semaphore(%arg10 : memref<!tpu.dma_semaphore, #tpu.memory_space<semaphore_mem>>)
    "tpu.region"() ({
      %run_scoped3A = tpu.sem_alloc : memref<!tpu.dma_semaphore, #tpu.memory_space<semaphore_mem>>
      %dma_start3A_59 = tpu.memref_slice %arg2[%mul3A_2] : memref<204800xi32, #tpu.memory_space<hbm>> -> memref<6400xi32, #tpu.memory_space<hbm>>
      %dma_start3A_60 = tpu.memref_slice %arg2[%mul3A_2] : memref<204800xi32, #tpu.memory_space<hbm>> -> memref<6400xi32, #tpu.memory_space<hbm>>
      tpu.enqueue_dma source(%dma_start3A_60 : memref<6400xi32, #tpu.memory_space<hbm>>) target(%arg6 : memref<6400xi32, #tpu.memory_space<vmem>>) target_semaphore(%run_scoped3A : memref<!tpu.dma_semaphore, #tpu.memory_space<semaphore_mem>>)
      %dma_wait3A_61 = tpu.memref_slice %arg2[%mul3A_2] : memref<204800xi32, #tpu.memory_space<hbm>> -> memref<6400xi32, #tpu.memory_space<hbm>>
      %dma_wait3A_62 = tpu.memref_slice %arg2[%mul3A_2] : memref<204800xi32, #tpu.memory_space<hbm>> -> memref<6400xi32, #tpu.memory_space<hbm>>
      tpu.wait_dma2 semaphore(%run_scoped3A : memref<!tpu.dma_semaphore, #tpu.memory_space<semaphore_mem>>) src(%dma_wait3A_62 : memref<6400xi32, #tpu.memory_space<hbm>>) dst(%arg6 : memref<6400xi32, #tpu.memory_space<vmem>>)
      tpu.yield
    }) : () -> ()
    %eq3A = arith.constant 0 : i32
    %eq3A_3 = arith.cmpi eq, %arg1, %eq3A : i32
    %convert_element_type3A = arith.extui %eq3A_3 : i1 to i32
    %cond3A = arith.constant 0 : i32
    %cond3A_4 = arith.cmpi ne, %convert_element_type3A, %cond3A : i32
    scf.if %cond3A_4 {
      "tpu.region"() ({
        %run_scoped3A = tpu.sem_alloc : memref<!tpu.dma_semaphore, #tpu.memory_space<semaphore_mem>>
        tpu.enqueue_dma source(%arg3 : memref<75x128xf32, #tpu.memory_space<hbm>>) target(%arg7 : memref<75x128xf32, #tpu.memory_space<vmem_shared>>) target_semaphore(%run_scoped3A : memref<!tpu.dma_semaphore, #tpu.memory_space<semaphore_mem>>)
        tpu.wait_dma2 semaphore(%run_scoped3A : memref<!tpu.dma_semaphore, #tpu.memory_space<semaphore_mem>>) src(%arg3 : memref<75x128xf32, #tpu.memory_space<hbm>>) dst(%arg7 : memref<75x128xf32, #tpu.memory_space<vmem_shared>>)
        tpu.yield
      }) : () -> ()
    } else {
    }
    %barrier3A = arith.constant 0 : index
    tpu.barrier barrier_id(%barrier3A)
    %dma_start3A = arith.constant 0 : i32
    %dma_start3A_5 = arith.constant 0 : i32
    %dma_start3A_6 = arith.constant 0 : i32
    %dma_start3A_7 = tpu.memref_slice %arg8[%dma_start3A, %dma_start3A_5, %dma_start3A_6] : memref<4x64x128xf32, #tpu.memory_space<vmem>> -> memref<1x64x128xf32, #tpu.memory_space<vmem>>
    %dma_start3A_8 = tpu.memref_squeeze %dma_start3A_7 : memref<1x64x128xf32, #tpu.memory_space<vmem>> -> memref<64x128xf32, #tpu.memory_space<vmem>>
    %dma_start3A_9 = arith.constant 0 : i32
    %dma_start3A_10 = tpu.memref_slice %arg6[%dma_start3A_9] : memref<6400xi32, #tpu.memory_space<vmem>> -> memref<64xi32, #tpu.memory_space<vmem>>
    %dma_start3A_11 = arith.constant 0 : i32
    %dma_start3A_12 = arith.constant 0 : i32
    %dma_start3A_13 = tpu.memref_slice %arg7[%dma_start3A_11, %dma_start3A_12] : memref<75x128xf32, #tpu.memory_space<vmem_shared>> -> memref<75x128xf32, #tpu.memory_space<vmem_shared>>
    tpu.enqueue_indirect_dma source(%dma_start3A_13 : memref<75x128xf32, #tpu.memory_space<vmem_shared>>) target(%dma_start3A_8 : memref<64x128xf32, #tpu.memory_space<vmem>>) offsets(%dma_start3A_10 : memref<64xi32, #tpu.memory_space<vmem>>) semaphore(%arg11 : memref<!tpu.dma_semaphore, #tpu.memory_space<semaphore_mem>>)
    %dma_start3A_14 = arith.constant 1 : i32
    %dma_start3A_15 = arith.constant 0 : i32
    %dma_start3A_16 = arith.constant 0 : i32
    %dma_start3A_17 = tpu.memref_slice %arg8[%dma_start3A_14, %dma_start3A_15, %dma_start3A_16] : memref<4x64x128xf32, #tpu.memory_space<vmem>> -> memref<1x64x128xf32, #tpu.memory_space<vmem>>
    %dma_start3A_18 = tpu.memref_squeeze %dma_start3A_17 : memref<1x64x128xf32, #tpu.memory_space<vmem>> -> memref<64x128xf32, #tpu.memory_space<vmem>>
    %dma_start3A_19 = arith.constant 64 : i32
    %dma_start3A_20 = tpu.memref_slice %arg6[%dma_start3A_19] : memref<6400xi32, #tpu.memory_space<vmem>> -> memref<64xi32, #tpu.memory_space<vmem>>
    %dma_start3A_21 = arith.constant 0 : i32
    %dma_start3A_22 = arith.constant 0 : i32
    %dma_start3A_23 = tpu.memref_slice %arg7[%dma_start3A_21, %dma_start3A_22] : memref<75x128xf32, #tpu.memory_space<vmem_shared>> -> memref<75x128xf32, #tpu.memory_space<vmem_shared>>
    tpu.enqueue_indirect_dma source(%dma_start3A_23 : memref<75x128xf32, #tpu.memory_space<vmem_shared>>) target(%dma_start3A_18 : memref<64x128xf32, #tpu.memory_space<vmem>>) offsets(%dma_start3A_20 : memref<64xi32, #tpu.memory_space<vmem>>) semaphore(%arg12 : memref<!tpu.dma_semaphore, #tpu.memory_space<semaphore_mem>>)
    tpu.wait_dma2 semaphore(%arg10 : memref<!tpu.dma_semaphore, #tpu.memory_space<semaphore_mem>>) src(%arg4 : memref<256x128xf32, #tpu.memory_space<hbm>>) dst(%arg9 : memref<256x128xf32, #tpu.memory_space<vmem>>)
    %scan3A = arith.constant 0 : i32
    %scan3A_24 = arith.constant 0 : i32
    %scan3A_25 = arith.constant 25 : i32
    %scan3A_26 = arith.addi %scan3A_24, %scan3A_25 : i32
    %scan3A_27 = arith.constant 1 : i32
    %scan3A_28 = scf.for %scan3A_59 = %scan3A_24 to %scan3A_26 step %scan3A_27 iter_args(%scan3A_60 = %scan3A) -> (i32)  : i32 {
      %mul3A_61 = arith.constant 4 : i32
      %mul3A_62 = arith.muli %mul3A_61, %scan3A_59 : i32
      %add3A_63 = arith.constant 0 : i32
      %add3A_64 = arith.addi %mul3A_62, %add3A_63 : i32
      %mul3A_65 = arith.constant 64 : i32
      %mul3A_66 = arith.muli %add3A_64, %mul3A_65 : i32
      %dma_wait3A_67 = arith.constant 0 : i32
      %dma_wait3A_68 = arith.constant 0 : i32
      %dma_wait3A_69 = arith.constant 0 : i32
      %dma_wait3A_70 = tpu.memref_slice %arg8[%dma_wait3A_67, %dma_wait3A_68, %dma_wait3A_69] : memref<4x64x128xf32, #tpu.memory_space<vmem>> -> memref<1x64x128xf32, #tpu.memory_space<vmem>>
      %dma_wait3A_71 = tpu.memref_squeeze %dma_wait3A_70 : memref<1x64x128xf32, #tpu.memory_space<vmem>> -> memref<64x128xf32, #tpu.memory_space<vmem>>
      %dma_wait3A_72 = tpu.memref_slice %arg6[%mul3A_66] : memref<6400xi32, #tpu.memory_space<vmem>> -> memref<64xi32, #tpu.memory_space<vmem>>
      %dma_wait3A_73 = arith.constant 0 : i32
      %dma_wait3A_74 = arith.constant 0 : i32
      %dma_wait3A_75 = tpu.memref_slice %arg7[%dma_wait3A_73, %dma_wait3A_74] : memref<75x128xf32, #tpu.memory_space<vmem_shared>> -> memref<75x128xf32, #tpu.memory_space<vmem_shared>>
      tpu.wait_indirect_dma semaphore(%arg11 : memref<!tpu.dma_semaphore, #tpu.memory_space<semaphore_mem>>) src(%dma_wait3A_75 : memref<75x128xf32, #tpu.memory_space<vmem_shared>>) dst(%dma_wait3A_71 : memref<64x128xf32, #tpu.memory_space<vmem>>)
      %ge3A = arith.constant 2 : i32
      %ge3A_76 = arith.cmpi sge, %add3A_64, %ge3A : i32
      %convert_element_type3A_77 = arith.extui %ge3A_76 : i1 to i32
      %cond3A_78 = arith.constant 0 : i32
      %cond3A_79 = arith.cmpi ne, %convert_element_type3A_77, %cond3A_78 : i32
      scf.if %cond3A_79 {
        %sub3A = arith.constant 2 : i32
        %sub3A_258 = arith.subi %add3A_64, %sub3A : i32
        %mul3A_259 = arith.constant 64 : i32
        %mul3A_260 = arith.muli %sub3A_258, %mul3A_259 : i32
        %add3A_261 = arith.addi %mul3A_2, %mul3A_260 : i32
        %dma_wait3A_262 = arith.constant 2 : i32
        %dma_wait3A_263 = arith.constant 0 : i32
        %dma_wait3A_264 = arith.constant 0 : i32
        %dma_wait3A_265 = tpu.memref_slice %arg8[%dma_wait3A_262, %dma_wait3A_263, %dma_wait3A_264] : memref<4x64x128xf32, #tpu.memory_space<vmem>> -> memref<1x64x128xf32, #tpu.memory_space<vmem>>
        %dma_wait3A_266 = tpu.memref_squeeze %dma_wait3A_265 : memref<1x64x128xf32, #tpu.memory_space<vmem>> -> memref<64x128xf32, #tpu.memory_space<vmem>>
        %dma_wait3A_267 = arith.constant 0 : i32
        %dma_wait3A_268 = tpu.memref_slice %arg5[%add3A_261, %dma_wait3A_267] : memref<204800x128xf32, #tpu.memory_space<hbm>> -> memref<64x128xf32, #tpu.memory_space<hbm>>
        %dma_wait3A_269 = arith.constant 0 : i32
        %dma_wait3A_270 = tpu.memref_slice %arg5[%add3A_261, %dma_wait3A_269] : memref<204800x128xf32, #tpu.memory_space<hbm>> -> memref<64x128xf32, #tpu.memory_space<hbm>>
        %dma_wait3A_271 = arith.constant 0 : i32
        %dma_wait3A_272 = arith.constant 0 : i32
        %dma_wait3A_273 = tpu.memref_slice %arg8[%dma_wait3A_262, %dma_wait3A_271, %dma_wait3A_272] : memref<4x64x128xf32, #tpu.memory_space<vmem>> -> memref<1x64x128xf32, #tpu.memory_space<vmem>>
        %dma_wait3A_274 = tpu.memref_squeeze %dma_wait3A_273 : memref<1x64x128xf32, #tpu.memory_space<vmem>> -> memref<64x128xf32, #tpu.memory_space<vmem>>
        tpu.wait_dma2 semaphore(%arg17 : memref<!tpu.dma_semaphore, #tpu.memory_space<semaphore_mem>>) src(%dma_wait3A_274 : memref<64x128xf32, #tpu.memory_space<vmem>>) dst(%dma_wait3A_270 : memref<64x128xf32, #tpu.memory_space<hbm>>)
      } else {
      }
      %add3A_80 = arith.constant 2 : i32
      %add3A_81 = arith.addi %add3A_64, %add3A_80 : i32
      %lt3A = arith.constant 100 : i32
      %lt3A_82 = arith.cmpi slt, %add3A_81, %lt3A : i32
      %convert_element_type3A_83 = arith.extui %lt3A_82 : i1 to i32
      %cond3A_84 = arith.constant 0 : i32
      %cond3A_85 = arith.cmpi ne, %convert_element_type3A_83, %cond3A_84 : i32
      scf.if %cond3A_85 {
        %add3A_258 = arith.constant 2 : i32
        %add3A_259 = arith.addi %add3A_64, %add3A_258 : i32
        %mul3A_260 = arith.constant 64 : i32
        %mul3A_261 = arith.muli %add3A_259, %mul3A_260 : i32
        %dma_start3A_262 = arith.constant 2 : i32
        %dma_start3A_263 = arith.constant 0 : i32
        %dma_start3A_264 = arith.constant 0 : i32
        %dma_start3A_265 = tpu.memref_slice %arg8[%dma_start3A_262, %dma_start3A_263, %dma_start3A_264] : memref<4x64x128xf32, #tpu.memory_space<vmem>> -> memref<1x64x128xf32, #tpu.memory_space<vmem>>
        %dma_start3A_266 = tpu.memref_squeeze %dma_start3A_265 : memref<1x64x128xf32, #tpu.memory_space<vmem>> -> memref<64x128xf32, #tpu.memory_space<vmem>>
        %dma_start3A_267 = tpu.memref_slice %arg6[%mul3A_261] : memref<6400xi32, #tpu.memory_space<vmem>> -> memref<64xi32, #tpu.memory_space<vmem>>
        %dma_start3A_268 = arith.constant 0 : i32
        %dma_start3A_269 = arith.constant 0 : i32
        %dma_start3A_270 = tpu.memref_slice %arg7[%dma_start3A_268, %dma_start3A_269] : memref<75x128xf32, #tpu.memory_space<vmem_shared>> -> memref<75x128xf32, #tpu.memory_space<vmem_shared>>
        tpu.enqueue_indirect_dma source(%dma_start3A_270 : memref<75x128xf32, #tpu.memory_space<vmem_shared>>) target(%dma_start3A_266 : memref<64x128xf32, #tpu.memory_space<vmem>>) offsets(%dma_start3A_267 : memref<64xi32, #tpu.memory_space<vmem>>) semaphore(%arg13 : memref<!tpu.dma_semaphore, #tpu.memory_space<semaphore_mem>>)
      } else {
      }
      %mul3A_86 = arith.constant 64 : i32
      %mul3A_87 = arith.muli %add3A_64, %mul3A_86 : i32
      %rem3A = arith.constant 200 : i32
      %rem3A_88 = arith.remsi %mul3A_87, %rem3A : i32
      %parallel_loop3A = arith.constant 0 : i32
      %parallel_loop3A_89 = arith.constant 64 : i32
      %parallel_loop3A_90 = arith.constant 1 : i32
      scf.for %parallel_loop3A_258 = %parallel_loop3A to %parallel_loop3A_89 step %parallel_loop3A_90  : i32 {
        %parallel_loop3A_259 = arith.addi %rem3A_88, %parallel_loop3A_258 : i32
        %parallel_loop3A_260 = arith.index_cast %parallel_loop3A_259 : i32 to index
        %parallel_loop3A_261 = arith.constant 0 : index
        %parallel_loop3A_262 = tpu.vector_load %arg9[%parallel_loop3A_260, %parallel_loop3A_261] {strides = array<i32>} : memref<256x128xf32, #tpu.memory_space<vmem>>, vector<1x16xf32>,
        %parallel_loop3A_263 = vector.shape_cast %parallel_loop3A_262 : vector<1x16xf32> to vector<16xf32>
        %parallel_loop3A_264 = arith.constant 0 : i32
        %parallel_loop3A_265 = arith.index_cast %parallel_loop3A_264 : i32 to index
        %parallel_loop3A_266 = arith.index_cast %parallel_loop3A_258 : i32 to index
        %parallel_loop3A_267 = arith.constant 0 : index
        %parallel_loop3A_268 = tpu.vector_load %arg8[%parallel_loop3A_265, %parallel_loop3A_266, %parallel_loop3A_267] {strides = array<i32>} : memref<4x64x128xf32, #tpu.memory_space<vmem>>, vector<1x1x16xf32>,
        %parallel_loop3A_269 = vector.shape_cast %parallel_loop3A_268 : vector<1x1x16xf32> to vector<16xf32>
        %parallel_loop3A_270 = vector.shape_cast %parallel_loop3A_263 : vector<16xf32> to vector<1x1x16xf32>
        tpu.vector_store %arg8[%parallel_loop3A_265, %parallel_loop3A_266, %parallel_loop3A_267], %parallel_loop3A_270 {add = true, strides = array<i32>} : memref<4x64x128xf32, #tpu.memory_space<vmem>>, vector<1x1x16xf32>,
        %parallel_loop3A_271 = arith.addi %rem3A_88, %parallel_loop3A_258 : i32
        %parallel_loop3A_272 = arith.index_cast %parallel_loop3A_271 : i32 to index
        %parallel_loop3A_273 = arith.constant 16 : index
        %parallel_loop3A_274 = tpu.vector_load %arg9[%parallel_loop3A_272, %parallel_loop3A_273] {strides = array<i32>} : memref<256x128xf32, #tpu.memory_space<vmem>>, vector<1x16xf32>,
        %parallel_loop3A_275 = vector.shape_cast %parallel_loop3A_274 : vector<1x16xf32> to vector<16xf32>
        %parallel_loop3A_276 = arith.constant 0 : i32
        %parallel_loop3A_277 = arith.index_cast %parallel_loop3A_276 : i32 to index
        %parallel_loop3A_278 = arith.index_cast %parallel_loop3A_258 : i32 to index
        %parallel_loop3A_279 = arith.constant 16 : index
        %parallel_loop3A_280 = tpu.vector_load %arg8[%parallel_loop3A_277, %parallel_loop3A_278, %parallel_loop3A_279] {strides = array<i32>} : memref<4x64x128xf32, #tpu.memory_space<vmem>>, vector<1x1x16xf32>,
        %parallel_loop3A_281 = vector.shape_cast %parallel_loop3A_280 : vector<1x1x16xf32> to vector<16xf32>
        %parallel_loop3A_282 = vector.shape_cast %parallel_loop3A_275 : vector<16xf32> to vector<1x1x16xf32>
        tpu.vector_store %arg8[%parallel_loop3A_277, %parallel_loop3A_278, %parallel_loop3A_279], %parallel_loop3A_282 {add = true, strides = array<i32>} : memref<4x64x128xf32, #tpu.memory_space<vmem>>, vector<1x1x16xf32>,
        %parallel_loop3A_283 = arith.addi %rem3A_88, %parallel_loop3A_258 : i32
        %parallel_loop3A_284 = arith.index_cast %parallel_loop3A_283 : i32 to index
        %parallel_loop3A_285 = arith.constant 32 : index
        %parallel_loop3A_286 = tpu.vector_load %arg9[%parallel_loop3A_284, %parallel_loop3A_285] {strides = array<i32>} : memref<256x128xf32, #tpu.memory_space<vmem>>, vector<1x16xf32>,
        %parallel_loop3A_287 = vector.shape_cast %parallel_loop3A_286 : vector<1x16xf32> to vector<16xf32>
        %parallel_loop3A_288 = arith.constant 0 : i32
        %parallel_loop3A_289 = arith.index_cast %parallel_loop3A_288 : i32 to index
        %parallel_loop3A_290 = arith.index_cast %parallel_loop3A_258 : i32 to index
        %parallel_loop3A_291 = arith.constant 32 : index
        %parallel_loop3A_292 = tpu.vector_load %arg8[%parallel_loop3A_289, %parallel_loop3A_290, %parallel_loop3A_291] {strides = array<i32>} : memref<4x64x128xf32, #tpu.memory_space<vmem>>, vector<1x1x16xf32>,
        %parallel_loop3A_293 = vector.shape_cast %parallel_loop3A_292 : vector<1x1x16xf32> to vector<16xf32>
        %parallel_loop3A_294 = vector.shape_cast %parallel_loop3A_287 : vector<16xf32> to vector<1x1x16xf32>
        tpu.vector_store %arg8[%parallel_loop3A_289, %parallel_loop3A_290, %parallel_loop3A_291], %parallel_loop3A_294 {add = true, strides = array<i32>} : memref<4x64x128xf32, #tpu.memory_space<vmem>>, vector<1x1x16xf32>,
        %parallel_loop3A_295 = arith.addi %rem3A_88, %parallel_loop3A_258 : i32
        %parallel_loop3A_296 = arith.index_cast %parallel_loop3A_295 : i32 to index
        %parallel_loop3A_297 = arith.constant 48 : index
        %parallel_loop3A_298 = tpu.vector_load %arg9[%parallel_loop3A_296, %parallel_loop3A_297] {strides = array<i32>} : memref<256x128xf32, #tpu.memory_space<vmem>>, vector<1x16xf32>,
        %parallel_loop3A_299 = vector.shape_cast %parallel_loop3A_298 : vector<1x16xf32> to vector<16xf32>
        %parallel_loop3A_300 = arith.constant 0 : i32
        %parallel_loop3A_301 = arith.index_cast %parallel_loop3A_300 : i32 to index
        %parallel_loop3A_302 = arith.index_cast %parallel_loop3A_258 : i32 to index
        %parallel_loop3A_303 = arith.constant 48 : index
        %parallel_loop3A_304 = tpu.vector_load %arg8[%parallel_loop3A_301, %parallel_loop3A_302, %parallel_loop3A_303] {strides = array<i32>} : memref<4x64x128xf32, #tpu.memory_space<vmem>>, vector<1x1x16xf32>,
        %parallel_loop3A_305 = vector.shape_cast %parallel_loop3A_304 : vector<1x1x16xf32> to vector<16xf32>
        %parallel_loop3A_306 = vector.shape_cast %parallel_loop3A_299 : vector<16xf32> to vector<1x1x16xf32>
        tpu.vector_store %arg8[%parallel_loop3A_301, %parallel_loop3A_302, %parallel_loop3A_303], %parallel_loop3A_306 {add = true, strides = array<i32>} : memref<4x64x128xf32, #tpu.memory_space<vmem>>, vector<1x1x16xf32>,
        %parallel_loop3A_307 = arith.addi %rem3A_88, %parallel_loop3A_258 : i32
        %parallel_loop3A_308 = arith.index_cast %parallel_loop3A_307 : i32 to index
        %parallel_loop3A_309 = arith.constant 64 : index
        %parallel_loop3A_310 = tpu.vector_load %arg9[%parallel_loop3A_308, %parallel_loop3A_309] {strides = array<i32>} : memref<256x128xf32, #tpu.memory_space<vmem>>, vector<1x16xf32>,
        %parallel_loop3A_311 = vector.shape_cast %parallel_loop3A_310 : vector<1x16xf32> to vector<16xf32>
        %parallel_loop3A_312 = arith.constant 0 : i32
        %parallel_loop3A_313 = arith.index_cast %parallel_loop3A_312 : i32 to index
        %parallel_loop3A_314 = arith.index_cast %parallel_loop3A_258 : i32 to index
        %parallel_loop3A_315 = arith.constant 64 : index
        %parallel_loop3A_316 = tpu.vector_load %arg8[%parallel_loop3A_313, %parallel_loop3A_314, %parallel_loop3A_315] {strides = array<i32>} : memref<4x64x128xf32, #tpu.memory_space<vmem>>, vector<1x1x16xf32>,
        %parallel_loop3A_317 = vector.shape_cast %parallel_loop3A_316 : vector<1x1x16xf32> to vector<16xf32>
        %parallel_loop3A_318 = vector.shape_cast %parallel_loop3A_311 : vector<16xf32> to vector<1x1x16xf32>
        tpu.vector_store %arg8[%parallel_loop3A_313, %parallel_loop3A_314, %parallel_loop3A_315], %parallel_loop3A_318 {add = true, strides = array<i32>} : memref<4x64x128xf32, #tpu.memory_space<vmem>>, vector<1x1x16xf32>,
        %parallel_loop3A_319 = arith.addi %rem3A_88, %parallel_loop3A_258 : i32
        %parallel_loop3A_320 = arith.index_cast %parallel_loop3A_319 : i32 to index
        %parallel_loop3A_321 = arith.constant 80 : index
        %parallel_loop3A_322 = tpu.vector_load %arg9[%parallel_loop3A_320, %parallel_loop3A_321] {strides = array<i32>} : memref<256x128xf32, #tpu.memory_space<vmem>>, vector<1x16xf32>,
        %parallel_loop3A_323 = vector.shape_cast %parallel_loop3A_322 : vector<1x16xf32> to vector<16xf32>
        %parallel_loop3A_324 = arith.constant 0 : i32
        %parallel_loop3A_325 = arith.index_cast %parallel_loop3A_324 : i32 to index
        %parallel_loop3A_326 = arith.index_cast %parallel_loop3A_258 : i32 to index
        %parallel_loop3A_327 = arith.constant 80 : index
        %parallel_loop3A_328 = tpu.vector_load %arg8[%parallel_loop3A_325, %parallel_loop3A_326, %parallel_loop3A_327] {strides = array<i32>} : memref<4x64x128xf32, #tpu.memory_space<vmem>>, vector<1x1x16xf32>,
        %parallel_loop3A_329 = vector.shape_cast %parallel_loop3A_328 : vector<1x1x16xf32> to vector<16xf32>
        %parallel_loop3A_330 = vector.shape_cast %parallel_loop3A_323 : vector<16xf32> to vector<1x1x16xf32>
        tpu.vector_store %arg8[%parallel_loop3A_325, %parallel_loop3A_326, %parallel_loop3A_327], %parallel_loop3A_330 {add = true, strides = array<i32>} : memref<4x64x128xf32, #tpu.memory_space<vmem>>, vector<1x1x16xf32>,
        %parallel_loop3A_331 = arith.addi %rem3A_88, %parallel_loop3A_258 : i32
        %parallel_loop3A_332 = arith.index_cast %parallel_loop3A_331 : i32 to index
        %parallel_loop3A_333 = arith.constant 96 : index
        %parallel_loop3A_334 = tpu.vector_load %arg9[%parallel_loop3A_332, %parallel_loop3A_333] {strides = array<i32>} : memref<256x128xf32, #tpu.memory_space<vmem>>, vector<1x16xf32>,
        %parallel_loop3A_335 = vector.shape_cast %parallel_loop3A_334 : vector<1x16xf32> to vector<16xf32>
        %parallel_loop3A_336 = arith.constant 0 : i32
        %parallel_loop3A_337 = arith.index_cast %parallel_loop3A_336 : i32 to index
        %parallel_loop3A_338 = arith.index_cast %parallel_loop3A_258 : i32 to index
        %parallel_loop3A_339 = arith.constant 96 : index
        %parallel_loop3A_340 = tpu.vector_load %arg8[%parallel_loop3A_337, %parallel_loop3A_338, %parallel_loop3A_339] {strides = array<i32>} : memref<4x64x128xf32, #tpu.memory_space<vmem>>, vector<1x1x16xf32>,
        %parallel_loop3A_341 = vector.shape_cast %parallel_loop3A_340 : vector<1x1x16xf32> to vector<16xf32>
        %parallel_loop3A_342 = vector.shape_cast %parallel_loop3A_335 : vector<16xf32> to vector<1x1x16xf32>
        tpu.vector_store %arg8[%parallel_loop3A_337, %parallel_loop3A_338, %parallel_loop3A_339], %parallel_loop3A_342 {add = true, strides = array<i32>} : memref<4x64x128xf32, #tpu.memory_space<vmem>>, vector<1x1x16xf32>,
        %parallel_loop3A_343 = arith.addi %rem3A_88, %parallel_loop3A_258 : i32
        %parallel_loop3A_344 = arith.index_cast %parallel_loop3A_343 : i32 to index
        %parallel_loop3A_345 = arith.constant 112 : index
        %parallel_loop3A_346 = tpu.vector_load %arg9[%parallel_loop3A_344, %parallel_loop3A_345] {strides = array<i32>} : memref<256x128xf32, #tpu.memory_space<vmem>>, vector<1x16xf32>,
        %parallel_loop3A_347 = vector.shape_cast %parallel_loop3A_346 : vector<1x16xf32> to vector<16xf32>
        %parallel_loop3A_348 = arith.constant 0 : i32
        %parallel_loop3A_349 = arith.index_cast %parallel_loop3A_348 : i32 to index
        %parallel_loop3A_350 = arith.index_cast %parallel_loop3A_258 : i32 to index
        %parallel_loop3A_351 = arith.constant 112 : index
        %parallel_loop3A_352 = tpu.vector_load %arg8[%parallel_loop3A_349, %parallel_loop3A_350, %parallel_loop3A_351] {strides = array<i32>} : memref<4x64x128xf32, #tpu.memory_space<vmem>>, vector<1x1x16xf32>,
        %parallel_loop3A_353 = vector.shape_cast %parallel_loop3A_352 : vector<1x1x16xf32> to vector<16xf32>
        %parallel_loop3A_354 = vector.shape_cast %parallel_loop3A_347 : vector<16xf32> to vector<1x1x16xf32>
        tpu.vector_store %arg8[%parallel_loop3A_349, %parallel_loop3A_350, %parallel_loop3A_351], %parallel_loop3A_354 {add = true, strides = array<i32>} : memref<4x64x128xf32, #tpu.memory_space<vmem>>, vector<1x1x16xf32>,
      } {sc.loop_unroll_factor = 4 : i64, sc.parallel_access}
      %mul3A_91 = arith.constant 64 : i32
      %mul3A_92 = arith.muli %add3A_64, %mul3A_91 : i32
      %add3A_93 = arith.addi %mul3A_2, %mul3A_92 : i32
      %dma_start3A_94 = arith.constant 0 : i32
      %dma_start3A_95 = arith.constant 0 : i32
      %dma_start3A_96 = arith.constant 0 : i32
      %dma_start3A_97 = tpu.memref_slice %arg8[%dma_start3A_94, %dma_start3A_95, %dma_start3A_96] : memref<4x64x128xf32, #tpu.memory_space<vmem>> -> memref<1x64x128xf32, #tpu.memory_space<vmem>>
      %dma_start3A_98 = tpu.memref_squeeze %dma_start3A_97 : memref<1x64x128xf32, #tpu.memory_space<vmem>> -> memref<64x128xf32, #tpu.memory_space<vmem>>
      %dma_start3A_99 = arith.constant 0 : i32
      %dma_start3A_100 = tpu.memref_slice %arg5[%add3A_93, %dma_start3A_99] : memref<204800x128xf32, #tpu.memory_space<hbm>> -> memref<64x128xf32, #tpu.memory_space<hbm>>
      %dma_start3A_101 = arith.constant 0 : i32
      %dma_start3A_102 = tpu.memref_slice %arg5[%add3A_93, %dma_start3A_101] : memref<204800x128xf32, #tpu.memory_space<hbm>> -> memref<64x128xf32, #tpu.memory_space<hbm>>
      %dma_start3A_103 = arith.constant 0 : i32
      %dma_start3A_104 = arith.constant 0 : i32
      %dma_start3A_105 = tpu.memref_slice %arg8[%dma_start3A_94, %dma_start3A_103, %dma_start3A_104] : memref<4x64x128xf32, #tpu.memory_space<vmem>> -> memref<1x64x128xf32, #tpu.memory_space<vmem>>
      %dma_start3A_106 = tpu.memref_squeeze %dma_start3A_105 : memref<1x64x128xf32, #tpu.memory_space<vmem>> -> memref<64x128xf32, #tpu.memory_space<vmem>>
      tpu.enqueue_dma source(%dma_start3A_106 : memref<64x128xf32, #tpu.memory_space<vmem>>) target(%dma_start3A_102 : memref<64x128xf32, #tpu.memory_space<hbm>>) target_semaphore(%arg15 : memref<!tpu.dma_semaphore, #tpu.memory_space<semaphore_mem>>)
      %mul3A_107 = arith.constant 4 : i32
      %mul3A_108 = arith.muli %mul3A_107, %scan3A_59 : i32
      %add3A_109 = arith.constant 1 : i32
      %add3A_110 = arith.addi %mul3A_108, %add3A_109 : i32
      %mul3A_111 = arith.constant 64 : i32
      %mul3A_112 = arith.muli %add3A_110, %mul3A_111 : i32
      %dma_wait3A_113 = arith.constant 1 : i32
      %dma_wait3A_114 = arith.constant 0 : i32
      %dma_wait3A_115 = arith.constant 0 : i32
      %dma_wait3A_116 = tpu.memref_slice %arg8[%dma_wait3A_113, %dma_wait3A_114, %dma_wait3A_115] : memref<4x64x128xf32, #tpu.memory_space<vmem>> -> memref<1x64x128xf32, #tpu.memory_space<vmem>>
      %dma_wait3A_117 = tpu.memref_squeeze %dma_wait3A_116 : memref<1x64x128xf32, #tpu.memory_space<vmem>> -> memref<64x128xf32, #tpu.memory_space<vmem>>
      %dma_wait3A_118 = tpu.memref_slice %arg6[%mul3A_112] : memref<6400xi32, #tpu.memory_space<vmem>> -> memref<64xi32, #tpu.memory_space<vmem>>
      %dma_wait3A_119 = arith.constant 0 : i32
      %dma_wait3A_120 = arith.constant 0 : i32
      %dma_wait3A_121 = tpu.memref_slice %arg7[%dma_wait3A_119, %dma_wait3A_120] : memref<75x128xf32, #tpu.memory_space<vmem_shared>> -> memref<75x128xf32, #tpu.memory_space<vmem_shared>>
      tpu.wait_indirect_dma semaphore(%arg12 : memref<!tpu.dma_semaphore, #tpu.memory_space<semaphore_mem>>) src(%dma_wait3A_121 : memref<75x128xf32, #tpu.memory_space<vmem_shared>>) dst(%dma_wait3A_117 : memref<64x128xf32, #tpu.memory_space<vmem>>)
      %ge3A_122 = arith.constant 2 : i32
      %ge3A_123 = arith.cmpi sge, %add3A_110, %ge3A_122 : i32
      %convert_element_type3A_124 = arith.extui %ge3A_123 : i1 to i32
      %cond3A_125 = arith.constant 0 : i32
      %cond3A_126 = arith.cmpi ne, %convert_element_type3A_124, %cond3A_125 : i32
      scf.if %cond3A_126 {
        %sub3A = arith.constant 2 : i32
        %sub3A_258 = arith.subi %add3A_110, %sub3A : i32
        %mul3A_259 = arith.constant 64 : i32
        %mul3A_260 = arith.muli %sub3A_258, %mul3A_259 : i32
        %add3A_261 = arith.addi %mul3A_2, %mul3A_260 : i32
        %dma_wait3A_262 = arith.constant 3 : i32
        %dma_wait3A_263 = arith.constant 0 : i32
        %dma_wait3A_264 = arith.constant 0 : i32
        %dma_wait3A_265 = tpu.memref_slice %arg8[%dma_wait3A_262, %dma_wait3A_263, %dma_wait3A_264] : memref<4x64x128xf32, #tpu.memory_space<vmem>> -> memref<1x64x128xf32, #tpu.memory_space<vmem>>
        %dma_wait3A_266 = tpu.memref_squeeze %dma_wait3A_265 : memref<1x64x128xf32, #tpu.memory_space<vmem>> -> memref<64x128xf32, #tpu.memory_space<vmem>>
        %dma_wait3A_267 = arith.constant 0 : i32
        %dma_wait3A_268 = tpu.memref_slice %arg5[%add3A_261, %dma_wait3A_267] : memref<204800x128xf32, #tpu.memory_space<hbm>> -> memref<64x128xf32, #tpu.memory_space<hbm>>
        %dma_wait3A_269 = arith.constant 0 : i32
        %dma_wait3A_270 = tpu.memref_slice %arg5[%add3A_261, %dma_wait3A_269] : memref<204800x128xf32, #tpu.memory_space<hbm>> -> memref<64x128xf32, #tpu.memory_space<hbm>>
        %dma_wait3A_271 = arith.constant 0 : i32
        %dma_wait3A_272 = arith.constant 0 : i32
        %dma_wait3A_273 = tpu.memref_slice %arg8[%dma_wait3A_262, %dma_wait3A_271, %dma_wait3A_272] : memref<4x64x128xf32, #tpu.memory_space<vmem>> -> memref<1x64x128xf32, #tpu.memory_space<vmem>>
        %dma_wait3A_274 = tpu.memref_squeeze %dma_wait3A_273 : memref<1x64x128xf32, #tpu.memory_space<vmem>> -> memref<64x128xf32, #tpu.memory_space<vmem>>
        tpu.wait_dma2 semaphore(%arg18 : memref<!tpu.dma_semaphore, #tpu.memory_space<semaphore_mem>>) src(%dma_wait3A_274 : memref<64x128xf32, #tpu.memory_space<vmem>>) dst(%dma_wait3A_270 : memref<64x128xf32, #tpu.memory_space<hbm>>)
      } else {
      }
      %add3A_127 = arith.constant 2 : i32
      %add3A_128 = arith.addi %add3A_110, %add3A_127 : i32
      %lt3A_129 = arith.constant 100 : i32
      %lt3A_130 = arith.cmpi slt, %add3A_128, %lt3A_129 : i32
      %convert_element_type3A_131 = arith.extui %lt3A_130 : i1 to i32
      %cond3A_132 = arith.constant 0 : i32
      %cond3A_133 = arith.cmpi ne, %convert_element_type3A_131, %cond3A_132 : i32
      scf.if %cond3A_133 {
        %add3A_258 = arith.constant 2 : i32
        %add3A_259 = arith.addi %add3A_110, %add3A_258 : i32
        %mul3A_260 = arith.constant 64 : i32
        %mul3A_261 = arith.muli %add3A_259, %mul3A_260 : i32
        %dma_start3A_262 = arith.constant 3 : i32
        %dma_start3A_263 = arith.constant 0 : i32
        %dma_start3A_264 = arith.constant 0 : i32
        %dma_start3A_265 = tpu.memref_slice %arg8[%dma_start3A_262, %dma_start3A_263, %dma_start3A_264] : memref<4x64x128xf32, #tpu.memory_space<vmem>> -> memref<1x64x128xf32, #tpu.memory_space<vmem>>
        %dma_start3A_266 = tpu.memref_squeeze %dma_start3A_265 : memref<1x64x128xf32, #tpu.memory_space<vmem>> -> memref<64x128xf32, #tpu.memory_space<vmem>>
        %dma_start3A_267 = tpu.memref_slice %arg6[%mul3A_261] : memref<6400xi32, #tpu.memory_space<vmem>> -> memref<64xi32, #tpu.memory_space<vmem>>
        %dma_start3A_268 = arith.constant 0 : i32
        %dma_start3A_269 = arith.constant 0 : i32
        %dma_start3A_270 = tpu.memref_slice %arg7[%dma_start3A_268, %dma_start3A_269] : memref<75x128xf32, #tpu.memory_space<vmem_shared>> -> memref<75x128xf32, #tpu.memory_space<vmem_shared>>
        tpu.enqueue_indirect_dma source(%dma_start3A_270 : memref<75x128xf32, #tpu.memory_space<vmem_shared>>) target(%dma_start3A_266 : memref<64x128xf32, #tpu.memory_space<vmem>>) offsets(%dma_start3A_267 : memref<64xi32, #tpu.memory_space<vmem>>) semaphore(%arg14 : memref<!tpu.dma_semaphore, #tpu.memory_space<semaphore_mem>>)
      } else {
      }
      %mul3A_134 = arith.constant 64 : i32
      %mul3A_135 = arith.muli %add3A_110, %mul3A_134 : i32
      %rem3A_136 = arith.constant 200 : i32
      %rem3A_137 = arith.remsi %mul3A_135, %rem3A_136 : i32
      %parallel_loop3A_138 = arith.constant 0 : i32
      %parallel_loop3A_139 = arith.constant 64 : i32
      %parallel_loop3A_140 = arith.constant 1 : i32
      scf.for %parallel_loop3A_258 = %parallel_loop3A_138 to %parallel_loop3A_139 step %parallel_loop3A_140  : i32 {
        %parallel_loop3A_259 = arith.addi %rem3A_137, %parallel_loop3A_258 : i32
        %parallel_loop3A_260 = arith.index_cast %parallel_loop3A_259 : i32 to index
        %parallel_loop3A_261 = arith.constant 0 : index
        %parallel_loop3A_262 = tpu.vector_load %arg9[%parallel_loop3A_260, %parallel_loop3A_261] {strides = array<i32>} : memref<256x128xf32, #tpu.memory_space<vmem>>, vector<1x16xf32>,
        %parallel_loop3A_263 = vector.shape_cast %parallel_loop3A_262 : vector<1x16xf32> to vector<16xf32>
        %parallel_loop3A_264 = arith.constant 1 : i32
        %parallel_loop3A_265 = arith.index_cast %parallel_loop3A_264 : i32 to index
        %parallel_loop3A_266 = arith.index_cast %parallel_loop3A_258 : i32 to index
        %parallel_loop3A_267 = arith.constant 0 : index
        %parallel_loop3A_268 = tpu.vector_load %arg8[%parallel_loop3A_265, %parallel_loop3A_266, %parallel_loop3A_267] {strides = array<i32>} : memref<4x64x128xf32, #tpu.memory_space<vmem>>, vector<1x1x16xf32>,
        %parallel_loop3A_269 = vector.shape_cast %parallel_loop3A_268 : vector<1x1x16xf32> to vector<16xf32>
        %parallel_loop3A_270 = vector.shape_cast %parallel_loop3A_263 : vector<16xf32> to vector<1x1x16xf32>
        tpu.vector_store %arg8[%parallel_loop3A_265, %parallel_loop3A_266, %parallel_loop3A_267], %parallel_loop3A_270 {add = true, strides = array<i32>} : memref<4x64x128xf32, #tpu.memory_space<vmem>>, vector<1x1x16xf32>,
        %parallel_loop3A_271 = arith.addi %rem3A_137, %parallel_loop3A_258 : i32
        %parallel_loop3A_272 = arith.index_cast %parallel_loop3A_271 : i32 to index
        %parallel_loop3A_273 = arith.constant 16 : index
        %parallel_loop3A_274 = tpu.vector_load %arg9[%parallel_loop3A_272, %parallel_loop3A_273] {strides = array<i32>} : memref<256x128xf32, #tpu.memory_space<vmem>>, vector<1x16xf32>,
        %parallel_loop3A_275 = vector.shape_cast %parallel_loop3A_274 : vector<1x16xf32> to vector<16xf32>
        %parallel_loop3A_276 = arith.constant 1 : i32
        %parallel_loop3A_277 = arith.index_cast %parallel_loop3A_276 : i32 to index
        %parallel_loop3A_278 = arith.index_cast %parallel_loop3A_258 : i32 to index
        %parallel_loop3A_279 = arith.constant 16 : index
        %parallel_loop3A_280 = tpu.vector_load %arg8[%parallel_loop3A_277, %parallel_loop3A_278, %parallel_loop3A_279] {strides = array<i32>} : memref<4x64x128xf32, #tpu.memory_space<vmem>>, vector<1x1x16xf32>,
        %parallel_loop3A_281 = vector.shape_cast %parallel_loop3A_280 : vector<1x1x16xf32> to vector<16xf32>
        %parallel_loop3A_282 = vector.shape_cast %parallel_loop3A_275 : vector<16xf32> to vector<1x1x16xf32>
        tpu.vector_store %arg8[%parallel_loop3A_277, %parallel_loop3A_278, %parallel_loop3A_279], %parallel_loop3A_282 {add = true, strides = array<i32>} : memref<4x64x128xf32, #tpu.memory_space<vmem>>, vector<1x1x16xf32>,
        %parallel_loop3A_283 = arith.addi %rem3A_137, %parallel_loop3A_258 : i32
        %parallel_loop3A_284 = arith.index_cast %parallel_loop3A_283 : i32 to index
        %parallel_loop3A_285 = arith.constant 32 : index
        %parallel_loop3A_286 = tpu.vector_load %arg9[%parallel_loop3A_284, %parallel_loop3A_285] {strides = array<i32>} : memref<256x128xf32, #tpu.memory_space<vmem>>, vector<1x16xf32>,
        %parallel_loop3A_287 = vector.shape_cast %parallel_loop3A_286 : vector<1x16xf32> to vector<16xf32>
        %parallel_loop3A_288 = arith.constant 1 : i32
        %parallel_loop3A_289 = arith.index_cast %parallel_loop3A_288 : i32 to index
        %parallel_loop3A_290 = arith.index_cast %parallel_loop3A_258 : i32 to index
        %parallel_loop3A_291 = arith.constant 32 : index
        %parallel_loop3A_292 = tpu.vector_load %arg8[%parallel_loop3A_289, %parallel_loop3A_290, %parallel_loop3A_291] {strides = array<i32>} : memref<4x64x128xf32, #tpu.memory_space<vmem>>, vector<1x1x16xf32>,
        %parallel_loop3A_293 = vector.shape_cast %parallel_loop3A_292 : vector<1x1x16xf32> to vector<16xf32>
        %parallel_loop3A_294 = vector.shape_cast %parallel_loop3A_287 : vector<16xf32> to vector<1x1x16xf32>
        tpu.vector_store %arg8[%parallel_loop3A_289, %parallel_loop3A_290, %parallel_loop3A_291], %parallel_loop3A_294 {add = true, strides = array<i32>} : memref<4x64x128xf32, #tpu.memory_space<vmem>>, vector<1x1x16xf32>,
        %parallel_loop3A_295 = arith.addi %rem3A_137, %parallel_loop3A_258 : i32
        %parallel_loop3A_296 = arith.index_cast %parallel_loop3A_295 : i32 to index
        %parallel_loop3A_297 = arith.constant 48 : index
        %parallel_loop3A_298 = tpu.vector_load %arg9[%parallel_loop3A_296, %parallel_loop3A_297] {strides = array<i32>} : memref<256x128xf32, #tpu.memory_space<vmem>>, vector<1x16xf32>,
        %parallel_loop3A_299 = vector.shape_cast %parallel_loop3A_298 : vector<1x16xf32> to vector<16xf32>
        %parallel_loop3A_300 = arith.constant 1 : i32
        %parallel_loop3A_301 = arith.index_cast %parallel_loop3A_300 : i32 to index
        %parallel_loop3A_302 = arith.index_cast %parallel_loop3A_258 : i32 to index
        %parallel_loop3A_303 = arith.constant 48 : index
        %parallel_loop3A_304 = tpu.vector_load %arg8[%parallel_loop3A_301, %parallel_loop3A_302, %parallel_loop3A_303] {strides = array<i32>} : memref<4x64x128xf32, #tpu.memory_space<vmem>>, vector<1x1x16xf32>,
        %parallel_loop3A_305 = vector.shape_cast %parallel_loop3A_304 : vector<1x1x16xf32> to vector<16xf32>
        %parallel_loop3A_306 = vector.shape_cast %parallel_loop3A_299 : vector<16xf32> to vector<1x1x16xf32>
        tpu.vector_store %arg8[%parallel_loop3A_301, %parallel_loop3A_302, %parallel_loop3A_303], %parallel_loop3A_306 {add = true, strides = array<i32>} : memref<4x64x128xf32, #tpu.memory_space<vmem>>, vector<1x1x16xf32>,
        %parallel_loop3A_307 = arith.addi %rem3A_137, %parallel_loop3A_258 : i32
        %parallel_loop3A_308 = arith.index_cast %parallel_loop3A_307 : i32 to index
        %parallel_loop3A_309 = arith.constant 64 : index
        %parallel_loop3A_310 = tpu.vector_load %arg9[%parallel_loop3A_308, %parallel_loop3A_309] {strides = array<i32>} : memref<256x128xf32, #tpu.memory_space<vmem>>, vector<1x16xf32>,
        %parallel_loop3A_311 = vector.shape_cast %parallel_loop3A_310 : vector<1x16xf32> to vector<16xf32>
        %parallel_loop3A_312 = arith.constant 1 : i32
        %parallel_loop3A_313 = arith.index_cast %parallel_loop3A_312 : i32 to index
        %parallel_loop3A_314 = arith.index_cast %parallel_loop3A_258 : i32 to index
        %parallel_loop3A_315 = arith.constant 64 : index
        %parallel_loop3A_316 = tpu.vector_load %arg8[%parallel_loop3A_313, %parallel_loop3A_314, %parallel_loop3A_315] {strides = array<i32>} : memref<4x64x128xf32, #tpu.memory_space<vmem>>, vector<1x1x16xf32>,
        %parallel_loop3A_317 = vector.shape_cast %parallel_loop3A_316 : vector<1x1x16xf32> to vector<16xf32>
        %parallel_loop3A_318 = vector.shape_cast %parallel_loop3A_311 : vector<16xf32> to vector<1x1x16xf32>
        tpu.vector_store %arg8[%parallel_loop3A_313, %parallel_loop3A_314, %parallel_loop3A_315], %parallel_loop3A_318 {add = true, strides = array<i32>} : memref<4x64x128xf32, #tpu.memory_space<vmem>>, vector<1x1x16xf32>,
        %parallel_loop3A_319 = arith.addi %rem3A_137, %parallel_loop3A_258 : i32
        %parallel_loop3A_320 = arith.index_cast %parallel_loop3A_319 : i32 to index
        %parallel_loop3A_321 = arith.constant 80 : index
        %parallel_loop3A_322 = tpu.vector_load %arg9[%parallel_loop3A_320, %parallel_loop3A_321] {strides = array<i32>} : memref<256x128xf32, #tpu.memory_space<vmem>>, vector<1x16xf32>,
        %parallel_loop3A_323 = vector.shape_cast %parallel_loop3A_322 : vector<1x16xf32> to vector<16xf32>
        %parallel_loop3A_324 = arith.constant 1 : i32
        %parallel_loop3A_325 = arith.index_cast %parallel_loop3A_324 : i32 to index
        %parallel_loop3A_326 = arith.index_cast %parallel_loop3A_258 : i32 to index
        %parallel_loop3A_327 = arith.constant 80 : index
        %parallel_loop3A_328 = tpu.vector_load %arg8[%parallel_loop3A_325, %parallel_loop3A_326, %parallel_loop3A_327] {strides = array<i32>} : memref<4x64x128xf32, #tpu.memory_space<vmem>>, vector<1x1x16xf32>,
        %parallel_loop3A_329 = vector.shape_cast %parallel_loop3A_328 : vector<1x1x16xf32> to vector<16xf32>
        %parallel_loop3A_330 = vector.shape_cast %parallel_loop3A_323 : vector<16xf32> to vector<1x1x16xf32>
        tpu.vector_store %arg8[%parallel_loop3A_325, %parallel_loop3A_326, %parallel_loop3A_327], %parallel_loop3A_330 {add = true, strides = array<i32>} : memref<4x64x128xf32, #tpu.memory_space<vmem>>, vector<1x1x16xf32>,
        %parallel_loop3A_331 = arith.addi %rem3A_137, %parallel_loop3A_258 : i32
        %parallel_loop3A_332 = arith.index_cast %parallel_loop3A_331 : i32 to index
        %parallel_loop3A_333 = arith.constant 96 : index
        %parallel_loop3A_334 = tpu.vector_load %arg9[%parallel_loop3A_332, %parallel_loop3A_333] {strides = array<i32>} : memref<256x128xf32, #tpu.memory_space<vmem>>, vector<1x16xf32>,
        %parallel_loop3A_335 = vector.shape_cast %parallel_loop3A_334 : vector<1x16xf32> to vector<16xf32>
        %parallel_loop3A_336 = arith.constant 1 : i32
        %parallel_loop3A_337 = arith.index_cast %parallel_loop3A_336 : i32 to index
        %parallel_loop3A_338 = arith.index_cast %parallel_loop3A_258 : i32 to index
        %parallel_loop3A_339 = arith.constant 96 : index
        %parallel_loop3A_340 = tpu.vector_load %arg8[%parallel_loop3A_337, %parallel_loop3A_338, %parallel_loop3A_339] {strides = array<i32>} : memref<4x64x128xf32, #tpu.memory_space<vmem>>, vector<1x1x16xf32>,
        %parallel_loop3A_341 = vector.shape_cast %parallel_loop3A_340 : vector<1x1x16xf32> to vector<16xf32>
        %parallel_loop3A_342 = vector.shape_cast %parallel_loop3A_335 : vector<16xf32> to vector<1x1x16xf32>
        tpu.vector_store %arg8[%parallel_loop3A_337, %parallel_loop3A_338, %parallel_loop3A_339], %parallel_loop3A_342 {add = true, strides = array<i32>} : memref<4x64x128xf32, #tpu.memory_space<vmem>>, vector<1x1x16xf32>,
        %parallel_loop3A_343 = arith.addi %rem3A_137, %parallel_loop3A_258 : i32
        %parallel_loop3A_344 = arith.index_cast %parallel_loop3A_343 : i32 to index
        %parallel_loop3A_345 = arith.constant 112 : index
        %parallel_loop3A_346 = tpu.vector_load %arg9[%parallel_loop3A_344, %parallel_loop3A_345] {strides = array<i32>} : memref<256x128xf32, #tpu.memory_space<vmem>>, vector<1x16xf32>,
        %parallel_loop3A_347 = vector.shape_cast %parallel_loop3A_346 : vector<1x16xf32> to vector<16xf32>
        %parallel_loop3A_348 = arith.constant 1 : i32
        %parallel_loop3A_349 = arith.index_cast %parallel_loop3A_348 : i32 to index
        %parallel_loop3A_350 = arith.index_cast %parallel_loop3A_258 : i32 to index
        %parallel_loop3A_351 = arith.constant 112 : index
        %parallel_loop3A_352 = tpu.vector_load %arg8[%parallel_loop3A_349, %parallel_loop3A_350, %parallel_loop3A_351] {strides = array<i32>} : memref<4x64x128xf32, #tpu.memory_space<vmem>>, vector<1x1x16xf32>,
        %parallel_loop3A_353 = vector.shape_cast %parallel_loop3A_352 : vector<1x1x16xf32> to vector<16xf32>
        %parallel_loop3A_354 = vector.shape_cast %parallel_loop3A_347 : vector<16xf32> to vector<1x1x16xf32>
        tpu.vector_store %arg8[%parallel_loop3A_349, %parallel_loop3A_350, %parallel_loop3A_351], %parallel_loop3A_354 {add = true, strides = array<i32>} : memref<4x64x128xf32, #tpu.memory_space<vmem>>, vector<1x1x16xf32>,
      } {sc.loop_unroll_factor = 4 : i64, sc.parallel_access}
      %mul3A_141 = arith.constant 64 : i32
      %mul3A_142 = arith.muli %add3A_110, %mul3A_141 : i32
      %add3A_143 = arith.addi %mul3A_2, %mul3A_142 : i32
      %dma_start3A_144 = arith.constant 1 : i32
      %dma_start3A_145 = arith.constant 0 : i32
      %dma_start3A_146 = arith.constant 0 : i32
      %dma_start3A_147 = tpu.memref_slice %arg8[%dma_start3A_144, %dma_start3A_145, %dma_start3A_146] : memref<4x64x128xf32, #tpu.memory_space<vmem>> -> memref<1x64x128xf32, #tpu.memory_space<vmem>>
      %dma_start3A_148 = tpu.memref_squeeze %dma_start3A_147 : memref<1x64x128xf32, #tpu.memory_space<vmem>> -> memref<64x128xf32, #tpu.memory_space<vmem>>
      %dma_start3A_149 = arith.constant 0 : i32
      %dma_start3A_150 = tpu.memref_slice %arg5[%add3A_143, %dma_start3A_149] : memref<204800x128xf32, #tpu.memory_space<hbm>> -> memref<64x128xf32, #tpu.memory_space<hbm>>
      %dma_start3A_151 = arith.constant 0 : i32
      %dma_start3A_152 = tpu.memref_slice %arg5[%add3A_143, %dma_start3A_151] : memref<204800x128xf32, #tpu.memory_space<hbm>> -> memref<64x128xf32, #tpu.memory_space<hbm>>
      %dma_start3A_153 = arith.constant 0 : i32
      %dma_start3A_154 = arith.constant 0 : i32
      %dma_start3A_155 = tpu.memref_slice %arg8[%dma_start3A_144, %dma_start3A_153, %dma_start3A_154] : memref<4x64x128xf32, #tpu.memory_space<vmem>> -> memref<1x64x128xf32, #tpu.memory_space<vmem>>
      %dma_start3A_156 = tpu.memref_squeeze %dma_start3A_155 : memref<1x64x128xf32, #tpu.memory_space<vmem>> -> memref<64x128xf32, #tpu.memory_space<vmem>>
      tpu.enqueue_dma source(%dma_start3A_156 : memref<64x128xf32, #tpu.memory_space<vmem>>) target(%dma_start3A_152 : memref<64x128xf32, #tpu.memory_space<hbm>>) target_semaphore(%arg16 : memref<!tpu.dma_semaphore, #tpu.memory_space<semaphore_mem>>)
      %mul3A_157 = arith.constant 4 : i32
      %mul3A_158 = arith.muli %mul3A_157, %scan3A_59 : i32
      %add3A_159 = arith.constant 2 : i32
      %add3A_160 = arith.addi %mul3A_158, %add3A_159 : i32
      %mul3A_161 = arith.constant 64 : i32
      %mul3A_162 = arith.muli %add3A_160, %mul3A_161 : i32
      %dma_wait3A_163 = arith.constant 2 : i32
      %dma_wait3A_164 = arith.constant 0 : i32
      %dma_wait3A_165 = arith.constant 0 : i32
      %dma_wait3A_166 = tpu.memref_slice %arg8[%dma_wait3A_163, %dma_wait3A_164, %dma_wait3A_165] : memref<4x64x128xf32, #tpu.memory_space<vmem>> -> memref<1x64x128xf32, #tpu.memory_space<vmem>>
      %dma_wait3A_167 = tpu.memref_squeeze %dma_wait3A_166 : memref<1x64x128xf32, #tpu.memory_space<vmem>> -> memref<64x128xf32, #tpu.memory_space<vmem>>
      %dma_wait3A_168 = tpu.memref_slice %arg6[%mul3A_162] : memref<6400xi32, #tpu.memory_space<vmem>> -> memref<64xi32, #tpu.memory_space<vmem>>
      %dma_wait3A_169 = arith.constant 0 : i32
      %dma_wait3A_170 = arith.constant 0 : i32
      %dma_wait3A_171 = tpu.memref_slice %arg7[%dma_wait3A_169, %dma_wait3A_170] : memref<75x128xf32, #tpu.memory_space<vmem_shared>> -> memref<75x128xf32, #tpu.memory_space<vmem_shared>>
      tpu.wait_indirect_dma semaphore(%arg13 : memref<!tpu.dma_semaphore, #tpu.memory_space<semaphore_mem>>) src(%dma_wait3A_171 : memref<75x128xf32, #tpu.memory_space<vmem_shared>>) dst(%dma_wait3A_167 : memref<64x128xf32, #tpu.memory_space<vmem>>)
      %ge3A_172 = arith.constant 2 : i32
      %ge3A_173 = arith.cmpi sge, %add3A_160, %ge3A_172 : i32
      %convert_element_type3A_174 = arith.extui %ge3A_173 : i1 to i32
      %cond3A_175 = arith.constant 0 : i32
      %cond3A_176 = arith.cmpi ne, %convert_element_type3A_174, %cond3A_175 : i32
      scf.if %cond3A_176 {
        %sub3A = arith.constant 2 : i32
        %sub3A_258 = arith.subi %add3A_160, %sub3A : i32
        %mul3A_259 = arith.constant 64 : i32
        %mul3A_260 = arith.muli %sub3A_258, %mul3A_259 : i32
        %add3A_261 = arith.addi %mul3A_2, %mul3A_260 : i32
        %dma_wait3A_262 = arith.constant 0 : i32
        %dma_wait3A_263 = arith.constant 0 : i32
        %dma_wait3A_264 = arith.constant 0 : i32
        %dma_wait3A_265 = tpu.memref_slice %arg8[%dma_wait3A_262, %dma_wait3A_263, %dma_wait3A_264] : memref<4x64x128xf32, #tpu.memory_space<vmem>> -> memref<1x64x128xf32, #tpu.memory_space<vmem>>
        %dma_wait3A_266 = tpu.memref_squeeze %dma_wait3A_265 : memref<1x64x128xf32, #tpu.memory_space<vmem>> -> memref<64x128xf32, #tpu.memory_space<vmem>>
        %dma_wait3A_267 = arith.constant 0 : i32
        %dma_wait3A_268 = tpu.memref_slice %arg5[%add3A_261, %dma_wait3A_267] : memref<204800x128xf32, #tpu.memory_space<hbm>> -> memref<64x128xf32, #tpu.memory_space<hbm>>
        %dma_wait3A_269 = arith.constant 0 : i32
        %dma_wait3A_270 = tpu.memref_slice %arg5[%add3A_261, %dma_wait3A_269] : memref<204800x128xf32, #tpu.memory_space<hbm>> -> memref<64x128xf32, #tpu.memory_space<hbm>>
        %dma_wait3A_271 = arith.constant 0 : i32
        %dma_wait3A_272 = arith.constant 0 : i32
        %dma_wait3A_273 = tpu.memref_slice %arg8[%dma_wait3A_262, %dma_wait3A_271, %dma_wait3A_272] : memref<4x64x128xf32, #tpu.memory_space<vmem>> -> memref<1x64x128xf32, #tpu.memory_space<vmem>>
        %dma_wait3A_274 = tpu.memref_squeeze %dma_wait3A_273 : memref<1x64x128xf32, #tpu.memory_space<vmem>> -> memref<64x128xf32, #tpu.memory_space<vmem>>
        tpu.wait_dma2 semaphore(%arg15 : memref<!tpu.dma_semaphore, #tpu.memory_space<semaphore_mem>>) src(%dma_wait3A_274 : memref<64x128xf32, #tpu.memory_space<vmem>>) dst(%dma_wait3A_270 : memref<64x128xf32, #tpu.memory_space<hbm>>)
      } else {
      }
      %add3A_177 = arith.constant 2 : i32
      %add3A_178 = arith.addi %add3A_160, %add3A_177 : i32
      %lt3A_179 = arith.constant 100 : i32
      %lt3A_180 = arith.cmpi slt, %add3A_178, %lt3A_179 : i32
      %convert_element_type3A_181 = arith.extui %lt3A_180 : i1 to i32
      %cond3A_182 = arith.constant 0 : i32
      %cond3A_183 = arith.cmpi ne, %convert_element_type3A_181, %cond3A_182 : i32
      scf.if %cond3A_183 {
        %add3A_258 = arith.constant 2 : i32
        %add3A_259 = arith.addi %add3A_160, %add3A_258 : i32
        %mul3A_260 = arith.constant 64 : i32
        %mul3A_261 = arith.muli %add3A_259, %mul3A_260 : i32
        %dma_start3A_262 = arith.constant 0 : i32
        %dma_start3A_263 = arith.constant 0 : i32
        %dma_start3A_264 = arith.constant 0 : i32
        %dma_start3A_265 = tpu.memref_slice %arg8[%dma_start3A_262, %dma_start3A_263, %dma_start3A_264] : memref<4x64x128xf32, #tpu.memory_space<vmem>> -> memref<1x64x128xf32, #tpu.memory_space<vmem>>
        %dma_start3A_266 = tpu.memref_squeeze %dma_start3A_265 : memref<1x64x128xf32, #tpu.memory_space<vmem>> -> memref<64x128xf32, #tpu.memory_space<vmem>>
        %dma_start3A_267 = tpu.memref_slice %arg6[%mul3A_261] : memref<6400xi32, #tpu.memory_space<vmem>> -> memref<64xi32, #tpu.memory_space<vmem>>
        %dma_start3A_268 = arith.constant 0 : i32
        %dma_start3A_269 = arith.constant 0 : i32
        %dma_start3A_270 = tpu.memref_slice %arg7[%dma_start3A_268, %dma_start3A_269] : memref<75x128xf32, #tpu.memory_space<vmem_shared>> -> memref<75x128xf32, #tpu.memory_space<vmem_shared>>
        tpu.enqueue_indirect_dma source(%dma_start3A_270 : memref<75x128xf32, #tpu.memory_space<vmem_shared>>) target(%dma_start3A_266 : memref<64x128xf32, #tpu.memory_space<vmem>>) offsets(%dma_start3A_267 : memref<64xi32, #tpu.memory_space<vmem>>) semaphore(%arg11 : memref<!tpu.dma_semaphore, #tpu.memory_space<semaphore_mem>>)
      } else {
      }
      %mul3A_184 = arith.constant 64 : i32
      %mul3A_185 = arith.muli %add3A_160, %mul3A_184 : i32
      %rem3A_186 = arith.constant 200 : i32
      %rem3A_187 = arith.remsi %mul3A_185, %rem3A_186 : i32
      %parallel_loop3A_188 = arith.constant 0 : i32
      %parallel_loop3A_189 = arith.constant 64 : i32
      %parallel_loop3A_190 = arith.constant 1 : i32
      scf.for %parallel_loop3A_258 = %parallel_loop3A_188 to %parallel_loop3A_189 step %parallel_loop3A_190  : i32 {
        %parallel_loop3A_259 = arith.addi %rem3A_187, %parallel_loop3A_258 : i32
        %parallel_loop3A_260 = arith.index_cast %parallel_loop3A_259 : i32 to index
        %parallel_loop3A_261 = arith.constant 0 : index
        %parallel_loop3A_262 = tpu.vector_load %arg9[%parallel_loop3A_260, %parallel_loop3A_261] {strides = array<i32>} : memref<256x128xf32, #tpu.memory_space<vmem>>, vector<1x16xf32>,
        %parallel_loop3A_263 = vector.shape_cast %parallel_loop3A_262 : vector<1x16xf32> to vector<16xf32>
        %parallel_loop3A_264 = arith.constant 2 : i32
        %parallel_loop3A_265 = arith.index_cast %parallel_loop3A_264 : i32 to index
        %parallel_loop3A_266 = arith.index_cast %parallel_loop3A_258 : i32 to index
        %parallel_loop3A_267 = arith.constant 0 : index
        %parallel_loop3A_268 = tpu.vector_load %arg8[%parallel_loop3A_265, %parallel_loop3A_266, %parallel_loop3A_267] {strides = array<i32>} : memref<4x64x128xf32, #tpu.memory_space<vmem>>, vector<1x1x16xf32>,
        %parallel_loop3A_269 = vector.shape_cast %parallel_loop3A_268 : vector<1x1x16xf32> to vector<16xf32>
        %parallel_loop3A_270 = vector.shape_cast %parallel_loop3A_263 : vector<16xf32> to vector<1x1x16xf32>
        tpu.vector_store %arg8[%parallel_loop3A_265, %parallel_loop3A_266, %parallel_loop3A_267], %parallel_loop3A_270 {add = true, strides = array<i32>} : memref<4x64x128xf32, #tpu.memory_space<vmem>>, vector<1x1x16xf32>,
        %parallel_loop3A_271 = arith.addi %rem3A_187, %parallel_loop3A_258 : i32
        %parallel_loop3A_272 = arith.index_cast %parallel_loop3A_271 : i32 to index
        %parallel_loop3A_273 = arith.constant 16 : index
        %parallel_loop3A_274 = tpu.vector_load %arg9[%parallel_loop3A_272, %parallel_loop3A_273] {strides = array<i32>} : memref<256x128xf32, #tpu.memory_space<vmem>>, vector<1x16xf32>,
        %parallel_loop3A_275 = vector.shape_cast %parallel_loop3A_274 : vector<1x16xf32> to vector<16xf32>
        %parallel_loop3A_276 = arith.constant 2 : i32
        %parallel_loop3A_277 = arith.index_cast %parallel_loop3A_276 : i32 to index
        %parallel_loop3A_278 = arith.index_cast %parallel_loop3A_258 : i32 to index
        %parallel_loop3A_279 = arith.constant 16 : index
        %parallel_loop3A_280 = tpu.vector_load %arg8[%parallel_loop3A_277, %parallel_loop3A_278, %parallel_loop3A_279] {strides = array<i32>} : memref<4x64x128xf32, #tpu.memory_space<vmem>>, vector<1x1x16xf32>,
        %parallel_loop3A_281 = vector.shape_cast %parallel_loop3A_280 : vector<1x1x16xf32> to vector<16xf32>
        %parallel_loop3A_282 = vector.shape_cast %parallel_loop3A_275 : vector<16xf32> to vector<1x1x16xf32>
        tpu.vector_store %arg8[%parallel_loop3A_277, %parallel_loop3A_278, %parallel_loop3A_279], %parallel_loop3A_282 {add = true, strides = array<i32>} : memref<4x64x128xf32, #tpu.memory_space<vmem>>, vector<1x1x16xf32>,
        %parallel_loop3A_283 = arith.addi %rem3A_187, %parallel_loop3A_258 : i32
        %parallel_loop3A_284 = arith.index_cast %parallel_loop3A_283 : i32 to index
        %parallel_loop3A_285 = arith.constant 32 : index
        %parallel_loop3A_286 = tpu.vector_load %arg9[%parallel_loop3A_284, %parallel_loop3A_285] {strides = array<i32>} : memref<256x128xf32, #tpu.memory_space<vmem>>, vector<1x16xf32>,
        %parallel_loop3A_287 = vector.shape_cast %parallel_loop3A_286 : vector<1x16xf32> to vector<16xf32>
        %parallel_loop3A_288 = arith.constant 2 : i32
        %parallel_loop3A_289 = arith.index_cast %parallel_loop3A_288 : i32 to index
        %parallel_loop3A_290 = arith.index_cast %parallel_loop3A_258 : i32 to index
        %parallel_loop3A_291 = arith.constant 32 : index
        %parallel_loop3A_292 = tpu.vector_load %arg8[%parallel_loop3A_289, %parallel_loop3A_290, %parallel_loop3A_291] {strides = array<i32>} : memref<4x64x128xf32, #tpu.memory_space<vmem>>, vector<1x1x16xf32>,
        %parallel_loop3A_293 = vector.shape_cast %parallel_loop3A_292 : vector<1x1x16xf32> to vector<16xf32>
        %parallel_loop3A_294 = vector.shape_cast %parallel_loop3A_287 : vector<16xf32> to vector<1x1x16xf32>
        tpu.vector_store %arg8[%parallel_loop3A_289, %parallel_loop3A_290, %parallel_loop3A_291], %parallel_loop3A_294 {add = true, strides = array<i32>} : memref<4x64x128xf32, #tpu.memory_space<vmem>>, vector<1x1x16xf32>,
        %parallel_loop3A_295 = arith.addi %rem3A_187, %parallel_loop3A_258 : i32
        %parallel_loop3A_296 = arith.index_cast %parallel_loop3A_295 : i32 to index
        %parallel_loop3A_297 = arith.constant 48 : index
        %parallel_loop3A_298 = tpu.vector_load %arg9[%parallel_loop3A_296, %parallel_loop3A_297] {strides = array<i32>} : memref<256x128xf32, #tpu.memory_space<vmem>>, vector<1x16xf32>,
        %parallel_loop3A_299 = vector.shape_cast %parallel_loop3A_298 : vector<1x16xf32> to vector<16xf32>
        %parallel_loop3A_300 = arith.constant 2 : i32
        %parallel_loop3A_301 = arith.index_cast %parallel_loop3A_300 : i32 to index
        %parallel_loop3A_302 = arith.index_cast %parallel_loop3A_258 : i32 to index
        %parallel_loop3A_303 = arith.constant 48 : index
        %parallel_loop3A_304 = tpu.vector_load %arg8[%parallel_loop3A_301, %parallel_loop3A_302, %parallel_loop3A_303] {strides = array<i32>} : memref<4x64x128xf32, #tpu.memory_space<vmem>>, vector<1x1x16xf32>,
        %parallel_loop3A_305 = vector.shape_cast %parallel_loop3A_304 : vector<1x1x16xf32> to vector<16xf32>
        %parallel_loop3A_306 = vector.shape_cast %parallel_loop3A_299 : vector<16xf32> to vector<1x1x16xf32>
        tpu.vector_store %arg8[%parallel_loop3A_301, %parallel_loop3A_302, %parallel_loop3A_303], %parallel_loop3A_306 {add = true, strides = array<i32>} : memref<4x64x128xf32, #tpu.memory_space<vmem>>, vector<1x1x16xf32>,
        %parallel_loop3A_307 = arith.addi %rem3A_187, %parallel_loop3A_258 : i32
        %parallel_loop3A_308 = arith.index_cast %parallel_loop3A_307 : i32 to index
        %parallel_loop3A_309 = arith.constant 64 : index
        %parallel_loop3A_310 = tpu.vector_load %arg9[%parallel_loop3A_308, %parallel_loop3A_309] {strides = array<i32>} : memref<256x128xf32, #tpu.memory_space<vmem>>, vector<1x16xf32>,
        %parallel_loop3A_311 = vector.shape_cast %parallel_loop3A_310 : vector<1x16xf32> to vector<16xf32>
        %parallel_loop3A_312 = arith.constant 2 : i32
        %parallel_loop3A_313 = arith.index_cast %parallel_loop3A_312 : i32 to index
        %parallel_loop3A_314 = arith.index_cast %parallel_loop3A_258 : i32 to index
        %parallel_loop3A_315 = arith.constant 64 : index
        %parallel_loop3A_316 = tpu.vector_load %arg8[%parallel_loop3A_313, %parallel_loop3A_314, %parallel_loop3A_315] {strides = array<i32>} : memref<4x64x128xf32, #tpu.memory_space<vmem>>, vector<1x1x16xf32>,
        %parallel_loop3A_317 = vector.shape_cast %parallel_loop3A_316 : vector<1x1x16xf32> to vector<16xf32>
        %parallel_loop3A_318 = vector.shape_cast %parallel_loop3A_311 : vector<16xf32> to vector<1x1x16xf32>
        tpu.vector_store %arg8[%parallel_loop3A_313, %parallel_loop3A_314, %parallel_loop3A_315], %parallel_loop3A_318 {add = true, strides = array<i32>} : memref<4x64x128xf32, #tpu.memory_space<vmem>>, vector<1x1x16xf32>,
        %parallel_loop3A_319 = arith.addi %rem3A_187, %parallel_loop3A_258 : i32
        %parallel_loop3A_320 = arith.index_cast %parallel_loop3A_319 : i32 to index
        %parallel_loop3A_321 = arith.constant 80 : index
        %parallel_loop3A_322 = tpu.vector_load %arg9[%parallel_loop3A_320, %parallel_loop3A_321] {strides = array<i32>} : memref<256x128xf32, #tpu.memory_space<vmem>>, vector<1x16xf32>,
        %parallel_loop3A_323 = vector.shape_cast %parallel_loop3A_322 : vector<1x16xf32> to vector<16xf32>
        %parallel_loop3A_324 = arith.constant 2 : i32
        %parallel_loop3A_325 = arith.index_cast %parallel_loop3A_324 : i32 to index
        %parallel_loop3A_326 = arith.index_cast %parallel_loop3A_258 : i32 to index
        %parallel_loop3A_327 = arith.constant 80 : index
        %parallel_loop3A_328 = tpu.vector_load %arg8[%parallel_loop3A_325, %parallel_loop3A_326, %parallel_loop3A_327] {strides = array<i32>} : memref<4x64x128xf32, #tpu.memory_space<vmem>>, vector<1x1x16xf32>,
        %parallel_loop3A_329 = vector.shape_cast %parallel_loop3A_328 : vector<1x1x16xf32> to vector<16xf32>
        %parallel_loop3A_330 = vector.shape_cast %parallel_loop3A_323 : vector<16xf32> to vector<1x1x16xf32>
        tpu.vector_store %arg8[%parallel_loop3A_325, %parallel_loop3A_326, %parallel_loop3A_327], %parallel_loop3A_330 {add = true, strides = array<i32>} : memref<4x64x128xf32, #tpu.memory_space<vmem>>, vector<1x1x16xf32>,
        %parallel_loop3A_331 = arith.addi %rem3A_187, %parallel_loop3A_258 : i32
        %parallel_loop3A_332 = arith.index_cast %parallel_loop3A_331 : i32 to index
        %parallel_loop3A_333 = arith.constant 96 : index
        %parallel_loop3A_334 = tpu.vector_load %arg9[%parallel_loop3A_332, %parallel_loop3A_333] {strides = array<i32>} : memref<256x128xf32, #tpu.memory_space<vmem>>, vector<1x16xf32>,
        %parallel_loop3A_335 = vector.shape_cast %parallel_loop3A_334 : vector<1x16xf32> to vector<16xf32>
        %parallel_loop3A_336 = arith.constant 2 : i32
        %parallel_loop3A_337 = arith.index_cast %parallel_loop3A_336 : i32 to index
        %parallel_loop3A_338 = arith.index_cast %parallel_loop3A_258 : i32 to index
        %parallel_loop3A_339 = arith.constant 96 : index
        %parallel_loop3A_340 = tpu.vector_load %arg8[%parallel_loop3A_337, %parallel_loop3A_338, %parallel_loop3A_339] {strides = array<i32>} : memref<4x64x128xf32, #tpu.memory_space<vmem>>, vector<1x1x16xf32>,
        %parallel_loop3A_341 = vector.shape_cast %parallel_loop3A_340 : vector<1x1x16xf32> to vector<16xf32>
        %parallel_loop3A_342 = vector.shape_cast %parallel_loop3A_335 : vector<16xf32> to vector<1x1x16xf32>
        tpu.vector_store %arg8[%parallel_loop3A_337, %parallel_loop3A_338, %parallel_loop3A_339], %parallel_loop3A_342 {add = true, strides = array<i32>} : memref<4x64x128xf32, #tpu.memory_space<vmem>>, vector<1x1x16xf32>,
        %parallel_loop3A_343 = arith.addi %rem3A_187, %parallel_loop3A_258 : i32
        %parallel_loop3A_344 = arith.index_cast %parallel_loop3A_343 : i32 to index
        %parallel_loop3A_345 = arith.constant 112 : index
        %parallel_loop3A_346 = tpu.vector_load %arg9[%parallel_loop3A_344, %parallel_loop3A_345] {strides = array<i32>} : memref<256x128xf32, #tpu.memory_space<vmem>>, vector<1x16xf32>,
        %parallel_loop3A_347 = vector.shape_cast %parallel_loop3A_346 : vector<1x16xf32> to vector<16xf32>
        %parallel_loop3A_348 = arith.constant 2 : i32
        %parallel_loop3A_349 = arith.index_cast %parallel_loop3A_348 : i32 to index
        %parallel_loop3A_350 = arith.index_cast %parallel_loop3A_258 : i32 to index
        %parallel_loop3A_351 = arith.constant 112 : index
        %parallel_loop3A_352 = tpu.vector_load %arg8[%parallel_loop3A_349, %parallel_loop3A_350, %parallel_loop3A_351] {strides = array<i32>} : memref<4x64x128xf32, #tpu.memory_space<vmem>>, vector<1x1x16xf32>,
        %parallel_loop3A_353 = vector.shape_cast %parallel_loop3A_352 : vector<1x1x16xf32> to vector<16xf32>
        %parallel_loop3A_354 = vector.shape_cast %parallel_loop3A_347 : vector<16xf32> to vector<1x1x16xf32>
        tpu.vector_store %arg8[%parallel_loop3A_349, %parallel_loop3A_350, %parallel_loop3A_351], %parallel_loop3A_354 {add = true, strides = array<i32>} : memref<4x64x128xf32, #tpu.memory_space<vmem>>, vector<1x1x16xf32>,
      } {sc.loop_unroll_factor = 4 : i64, sc.parallel_access}
      %mul3A_191 = arith.constant 64 : i32
      %mul3A_192 = arith.muli %add3A_160, %mul3A_191 : i32
      %add3A_193 = arith.addi %mul3A_2, %mul3A_192 : i32
      %dma_start3A_194 = arith.constant 2 : i32
      %dma_start3A_195 = arith.constant 0 : i32
      %dma_start3A_196 = arith.constant 0 : i32
      %dma_start3A_197 = tpu.memref_slice %arg8[%dma_start3A_194, %dma_start3A_195, %dma_start3A_196] : memref<4x64x128xf32, #tpu.memory_space<vmem>> -> memref<1x64x128xf32, #tpu.memory_space<vmem>>
      %dma_start3A_198 = tpu.memref_squeeze %dma_start3A_197 : memref<1x64x128xf32, #tpu.memory_space<vmem>> -> memref<64x128xf32, #tpu.memory_space<vmem>>
      %dma_start3A_199 = arith.constant 0 : i32
      %dma_start3A_200 = tpu.memref_slice %arg5[%add3A_193, %dma_start3A_199] : memref<204800x128xf32, #tpu.memory_space<hbm>> -> memref<64x128xf32, #tpu.memory_space<hbm>>
      %dma_start3A_201 = arith.constant 0 : i32
      %dma_start3A_202 = tpu.memref_slice %arg5[%add3A_193, %dma_start3A_201] : memref<204800x128xf32, #tpu.memory_space<hbm>> -> memref<64x128xf32, #tpu.memory_space<hbm>>
      %dma_start3A_203 = arith.constant 0 : i32
      %dma_start3A_204 = arith.constant 0 : i32
      %dma_start3A_205 = tpu.memref_slice %arg8[%dma_start3A_194, %dma_start3A_203, %dma_start3A_204] : memref<4x64x128xf32, #tpu.memory_space<vmem>> -> memref<1x64x128xf32, #tpu.memory_space<vmem>>
      %dma_start3A_206 = tpu.memref_squeeze %dma_start3A_205 : memref<1x64x128xf32, #tpu.memory_space<vmem>> -> memref<64x128xf32, #tpu.memory_space<vmem>>
      tpu.enqueue_dma source(%dma_start3A_206 : memref<64x128xf32, #tpu.memory_space<vmem>>) target(%dma_start3A_202 : memref<64x128xf32, #tpu.memory_space<hbm>>) target_semaphore(%arg17 : memref<!tpu.dma_semaphore, #tpu.memory_space<semaphore_mem>>)
      %mul3A_207 = arith.constant 4 : i32
      %mul3A_208 = arith.muli %mul3A_207, %scan3A_59 : i32
      %add3A_209 = arith.constant 3 : i32
      %add3A_210 = arith.addi %mul3A_208, %add3A_209 : i32
      %mul3A_211 = arith.constant 64 : i32
      %mul3A_212 = arith.muli %add3A_210, %mul3A_211 : i32
      %dma_wait3A_213 = arith.constant 3 : i32
      %dma_wait3A_214 = arith.constant 0 : i32
      %dma_wait3A_215 = arith.constant 0 : i32
      %dma_wait3A_216 = tpu.memref_slice %arg8[%dma_wait3A_213, %dma_wait3A_214, %dma_wait3A_215] : memref<4x64x128xf32, #tpu.memory_space<vmem>> -> memref<1x64x128xf32, #tpu.memory_space<vmem>>
      %dma_wait3A_217 = tpu.memref_squeeze %dma_wait3A_216 : memref<1x64x128xf32, #tpu.memory_space<vmem>> -> memref<64x128xf32, #tpu.memory_space<vmem>>
      %dma_wait3A_218 = tpu.memref_slice %arg6[%mul3A_212] : memref<6400xi32, #tpu.memory_space<vmem>> -> memref<64xi32, #tpu.memory_space<vmem>>
      %dma_wait3A_219 = arith.constant 0 : i32
      %dma_wait3A_220 = arith.constant 0 : i32
      %dma_wait3A_221 = tpu.memref_slice %arg7[%dma_wait3A_219, %dma_wait3A_220] : memref<75x128xf32, #tpu.memory_space<vmem_shared>> -> memref<75x128xf32, #tpu.memory_space<vmem_shared>>
      tpu.wait_indirect_dma semaphore(%arg14 : memref<!tpu.dma_semaphore, #tpu.memory_space<semaphore_mem>>) src(%dma_wait3A_221 : memref<75x128xf32, #tpu.memory_space<vmem_shared>>) dst(%dma_wait3A_217 : memref<64x128xf32, #tpu.memory_space<vmem>>)
      %ge3A_222 = arith.constant 2 : i32
      %ge3A_223 = arith.cmpi sge, %add3A_210, %ge3A_222 : i32
      %convert_element_type3A_224 = arith.extui %ge3A_223 : i1 to i32
      %cond3A_225 = arith.constant 0 : i32
      %cond3A_226 = arith.cmpi ne, %convert_element_type3A_224, %cond3A_225 : i32
      scf.if %cond3A_226 {
        %sub3A = arith.constant 2 : i32
        %sub3A_258 = arith.subi %add3A_210, %sub3A : i32
        %mul3A_259 = arith.constant 64 : i32
        %mul3A_260 = arith.muli %sub3A_258, %mul3A_259 : i32
        %add3A_261 = arith.addi %mul3A_2, %mul3A_260 : i32
        %dma_wait3A_262 = arith.constant 1 : i32
        %dma_wait3A_263 = arith.constant 0 : i32
        %dma_wait3A_264 = arith.constant 0 : i32
        %dma_wait3A_265 = tpu.memref_slice %arg8[%dma_wait3A_262, %dma_wait3A_263, %dma_wait3A_264] : memref<4x64x128xf32, #tpu.memory_space<vmem>> -> memref<1x64x128xf32, #tpu.memory_space<vmem>>
        %dma_wait3A_266 = tpu.memref_squeeze %dma_wait3A_265 : memref<1x64x128xf32, #tpu.memory_space<vmem>> -> memref<64x128xf32, #tpu.memory_space<vmem>>
        %dma_wait3A_267 = arith.constant 0 : i32
        %dma_wait3A_268 = tpu.memref_slice %arg5[%add3A_261, %dma_wait3A_267] : memref<204800x128xf32, #tpu.memory_space<hbm>> -> memref<64x128xf32, #tpu.memory_space<hbm>>
        %dma_wait3A_269 = arith.constant 0 : i32
        %dma_wait3A_270 = tpu.memref_slice %arg5[%add3A_261, %dma_wait3A_269] : memref<204800x128xf32, #tpu.memory_space<hbm>> -> memref<64x128xf32, #tpu.memory_space<hbm>>
        %dma_wait3A_271 = arith.constant 0 : i32
        %dma_wait3A_272 = arith.constant 0 : i32
        %dma_wait3A_273 = tpu.memref_slice %arg8[%dma_wait3A_262, %dma_wait3A_271, %dma_wait3A_272] : memref<4x64x128xf32, #tpu.memory_space<vmem>> -> memref<1x64x128xf32, #tpu.memory_space<vmem>>
        %dma_wait3A_274 = tpu.memref_squeeze %dma_wait3A_273 : memref<1x64x128xf32, #tpu.memory_space<vmem>> -> memref<64x128xf32, #tpu.memory_space<vmem>>
        tpu.wait_dma2 semaphore(%arg16 : memref<!tpu.dma_semaphore, #tpu.memory_space<semaphore_mem>>) src(%dma_wait3A_274 : memref<64x128xf32, #tpu.memory_space<vmem>>) dst(%dma_wait3A_270 : memref<64x128xf32, #tpu.memory_space<hbm>>)
      } else {
      }
      %add3A_227 = arith.constant 2 : i32
      %add3A_228 = arith.addi %add3A_210, %add3A_227 : i32
      %lt3A_229 = arith.constant 100 : i32
      %lt3A_230 = arith.cmpi slt, %add3A_228, %lt3A_229 : i32
      %convert_element_type3A_231 = arith.extui %lt3A_230 : i1 to i32
      %cond3A_232 = arith.constant 0 : i32
      %cond3A_233 = arith.cmpi ne, %convert_element_type3A_231, %cond3A_232 : i32
      scf.if %cond3A_233 {
        %add3A_258 = arith.constant 2 : i32
        %add3A_259 = arith.addi %add3A_210, %add3A_258 : i32
        %mul3A_260 = arith.constant 64 : i32
        %mul3A_261 = arith.muli %add3A_259, %mul3A_260 : i32
        %dma_start3A_262 = arith.constant 1 : i32
        %dma_start3A_263 = arith.constant 0 : i32
        %dma_start3A_264 = arith.constant 0 : i32
        %dma_start3A_265 = tpu.memref_slice %arg8[%dma_start3A_262, %dma_start3A_263, %dma_start3A_264] : memref<4x64x128xf32, #tpu.memory_space<vmem>> -> memref<1x64x128xf32, #tpu.memory_space<vmem>>
        %dma_start3A_266 = tpu.memref_squeeze %dma_start3A_265 : memref<1x64x128xf32, #tpu.memory_space<vmem>> -> memref<64x128xf32, #tpu.memory_space<vmem>>
        %dma_start3A_267 = tpu.memref_slice %arg6[%mul3A_261] : memref<6400xi32, #tpu.memory_space<vmem>> -> memref<64xi32, #tpu.memory_space<vmem>>
        %dma_start3A_268 = arith.constant 0 : i32
        %dma_start3A_269 = arith.constant 0 : i32
        %dma_start3A_270 = tpu.memref_slice %arg7[%dma_start3A_268, %dma_start3A_269] : memref<75x128xf32, #tpu.memory_space<vmem_shared>> -> memref<75x128xf32, #tpu.memory_space<vmem_shared>>
        tpu.enqueue_indirect_dma source(%dma_start3A_270 : memref<75x128xf32, #tpu.memory_space<vmem_shared>>) target(%dma_start3A_266 : memref<64x128xf32, #tpu.memory_space<vmem>>) offsets(%dma_start3A_267 : memref<64xi32, #tpu.memory_space<vmem>>) semaphore(%arg12 : memref<!tpu.dma_semaphore, #tpu.memory_space<semaphore_mem>>)
      } else {
      }
      %mul3A_234 = arith.constant 64 : i32
      %mul3A_235 = arith.muli %add3A_210, %mul3A_234 : i32
      %rem3A_236 = arith.constant 200 : i32
      %rem3A_237 = arith.remsi %mul3A_235, %rem3A_236 : i32
      %parallel_loop3A_238 = arith.constant 0 : i32
      %parallel_loop3A_239 = arith.constant 64 : i32
      %parallel_loop3A_240 = arith.constant 1 : i32
      scf.for %parallel_loop3A_258 = %parallel_loop3A_238 to %parallel_loop3A_239 step %parallel_loop3A_240  : i32 {
        %parallel_loop3A_259 = arith.addi %rem3A_237, %parallel_loop3A_258 : i32
        %parallel_loop3A_260 = arith.index_cast %parallel_loop3A_259 : i32 to index
        %parallel_loop3A_261 = arith.constant 0 : index
        %parallel_loop3A_262 = tpu.vector_load %arg9[%parallel_loop3A_260, %parallel_loop3A_261] {strides = array<i32>} : memref<256x128xf32, #tpu.memory_space<vmem>>, vector<1x16xf32>,
        %parallel_loop3A_263 = vector.shape_cast %parallel_loop3A_262 : vector<1x16xf32> to vector<16xf32>
        %parallel_loop3A_264 = arith.constant 3 : i32
        %parallel_loop3A_265 = arith.index_cast %parallel_loop3A_264 : i32 to index
        %parallel_loop3A_266 = arith.index_cast %parallel_loop3A_258 : i32 to index
        %parallel_loop3A_267 = arith.constant 0 : index
        %parallel_loop3A_268 = tpu.vector_load %arg8[%parallel_loop3A_265, %parallel_loop3A_266, %parallel_loop3A_267] {strides = array<i32>} : memref<4x64x128xf32, #tpu.memory_space<vmem>>, vector<1x1x16xf32>,
        %parallel_loop3A_269 = vector.shape_cast %parallel_loop3A_268 : vector<1x1x16xf32> to vector<16xf32>
        %parallel_loop3A_270 = vector.shape_cast %parallel_loop3A_263 : vector<16xf32> to vector<1x1x16xf32>
        tpu.vector_store %arg8[%parallel_loop3A_265, %parallel_loop3A_266, %parallel_loop3A_267], %parallel_loop3A_270 {add = true, strides = array<i32>} : memref<4x64x128xf32, #tpu.memory_space<vmem>>, vector<1x1x16xf32>,
        %parallel_loop3A_271 = arith.addi %rem3A_237, %parallel_loop3A_258 : i32
        %parallel_loop3A_272 = arith.index_cast %parallel_loop3A_271 : i32 to index
        %parallel_loop3A_273 = arith.constant 16 : index
        %parallel_loop3A_274 = tpu.vector_load %arg9[%parallel_loop3A_272, %parallel_loop3A_273] {strides = array<i32>} : memref<256x128xf32, #tpu.memory_space<vmem>>, vector<1x16xf32>,
        %parallel_loop3A_275 = vector.shape_cast %parallel_loop3A_274 : vector<1x16xf32> to vector<16xf32>
        %parallel_loop3A_276 = arith.constant 3 : i32
        %parallel_loop3A_277 = arith.index_cast %parallel_loop3A_276 : i32 to index
        %parallel_loop3A_278 = arith.index_cast %parallel_loop3A_258 : i32 to index
        %parallel_loop3A_279 = arith.constant 16 : index
        %parallel_loop3A_280 = tpu.vector_load %arg8[%parallel_loop3A_277, %parallel_loop3A_278, %parallel_loop3A_279] {strides = array<i32>} : memref<4x64x128xf32, #tpu.memory_space<vmem>>, vector<1x1x16xf32>,
        %parallel_loop3A_281 = vector.shape_cast %parallel_loop3A_280 : vector<1x1x16xf32> to vector<16xf32>
        %parallel_loop3A_282 = vector.shape_cast %parallel_loop3A_275 : vector<16xf32> to vector<1x1x16xf32>
        tpu.vector_store %arg8[%parallel_loop3A_277, %parallel_loop3A_278, %parallel_loop3A_279], %parallel_loop3A_282 {add = true, strides = array<i32>} : memref<4x64x128xf32, #tpu.memory_space<vmem>>, vector<1x1x16xf32>,
        %parallel_loop3A_283 = arith.addi %rem3A_237, %parallel_loop3A_258 : i32
        %parallel_loop3A_284 = arith.index_cast %parallel_loop3A_283 : i32 to index
        %parallel_loop3A_285 = arith.constant 32 : index
        %parallel_loop3A_286 = tpu.vector_load %arg9[%parallel_loop3A_284, %parallel_loop3A_285] {strides = array<i32>} : memref<256x128xf32, #tpu.memory_space<vmem>>, vector<1x16xf32>,
        %parallel_loop3A_287 = vector.shape_cast %parallel_loop3A_286 : vector<1x16xf32> to vector<16xf32>
        %parallel_loop3A_288 = arith.constant 3 : i32
        %parallel_loop3A_289 = arith.index_cast %parallel_loop3A_288 : i32 to index
        %parallel_loop3A_290 = arith.index_cast %parallel_loop3A_258 : i32 to index
        %parallel_loop3A_291 = arith.constant 32 : index
        %parallel_loop3A_292 = tpu.vector_load %arg8[%parallel_loop3A_289, %parallel_loop3A_290, %parallel_loop3A_291] {strides = array<i32>} : memref<4x64x128xf32, #tpu.memory_space<vmem>>, vector<1x1x16xf32>,
        %parallel_loop3A_293 = vector.shape_cast %parallel_loop3A_292 : vector<1x1x16xf32> to vector<16xf32>
        %parallel_loop3A_294 = vector.shape_cast %parallel_loop3A_287 : vector<16xf32> to vector<1x1x16xf32>
        tpu.vector_store %arg8[%parallel_loop3A_289, %parallel_loop3A_290, %parallel_loop3A_291], %parallel_loop3A_294 {add = true, strides = array<i32>} : memref<4x64x128xf32, #tpu.memory_space<vmem>>, vector<1x1x16xf32>,
        %parallel_loop3A_295 = arith.addi %rem3A_237, %parallel_loop3A_258 : i32
        %parallel_loop3A_296 = arith.index_cast %parallel_loop3A_295 : i32 to index
        %parallel_loop3A_297 = arith.constant 48 : index
        %parallel_loop3A_298 = tpu.vector_load %arg9[%parallel_loop3A_296, %parallel_loop3A_297] {strides = array<i32>} : memref<256x128xf32, #tpu.memory_space<vmem>>, vector<1x16xf32>,
        %parallel_loop3A_299 = vector.shape_cast %parallel_loop3A_298 : vector<1x16xf32> to vector<16xf32>
        %parallel_loop3A_300 = arith.constant 3 : i32
        %parallel_loop3A_301 = arith.index_cast %parallel_loop3A_300 : i32 to index
        %parallel_loop3A_302 = arith.index_cast %parallel_loop3A_258 : i32 to index
        %parallel_loop3A_303 = arith.constant 48 : index
        %parallel_loop3A_304 = tpu.vector_load %arg8[%parallel_loop3A_301, %parallel_loop3A_302, %parallel_loop3A_303] {strides = array<i32>} : memref<4x64x128xf32, #tpu.memory_space<vmem>>, vector<1x1x16xf32>,
        %parallel_loop3A_305 = vector.shape_cast %parallel_loop3A_304 : vector<1x1x16xf32> to vector<16xf32>
        %parallel_loop3A_306 = vector.shape_cast %parallel_loop3A_299 : vector<16xf32> to vector<1x1x16xf32>
        tpu.vector_store %arg8[%parallel_loop3A_301, %parallel_loop3A_302, %parallel_loop3A_303], %parallel_loop3A_306 {add = true, strides = array<i32>} : memref<4x64x128xf32, #tpu.memory_space<vmem>>, vector<1x1x16xf32>,
        %parallel_loop3A_307 = arith.addi %rem3A_237, %parallel_loop3A_258 : i32
        %parallel_loop3A_308 = arith.index_cast %parallel_loop3A_307 : i32 to index
        %parallel_loop3A_309 = arith.constant 64 : index
        %parallel_loop3A_310 = tpu.vector_load %arg9[%parallel_loop3A_308, %parallel_loop3A_309] {strides = array<i32>} : memref<256x128xf32, #tpu.memory_space<vmem>>, vector<1x16xf32>,
        %parallel_loop3A_311 = vector.shape_cast %parallel_loop3A_310 : vector<1x16xf32> to vector<16xf32>
        %parallel_loop3A_312 = arith.constant 3 : i32
        %parallel_loop3A_313 = arith.index_cast %parallel_loop3A_312 : i32 to index
        %parallel_loop3A_314 = arith.index_cast %parallel_loop3A_258 : i32 to index
        %parallel_loop3A_315 = arith.constant 64 : index
        %parallel_loop3A_316 = tpu.vector_load %arg8[%parallel_loop3A_313, %parallel_loop3A_314, %parallel_loop3A_315] {strides = array<i32>} : memref<4x64x128xf32, #tpu.memory_space<vmem>>, vector<1x1x16xf32>,
        %parallel_loop3A_317 = vector.shape_cast %parallel_loop3A_316 : vector<1x1x16xf32> to vector<16xf32>
        %parallel_loop3A_318 = vector.shape_cast %parallel_loop3A_311 : vector<16xf32> to vector<1x1x16xf32>
        tpu.vector_store %arg8[%parallel_loop3A_313, %parallel_loop3A_314, %parallel_loop3A_315], %parallel_loop3A_318 {add = true, strides = array<i32>} : memref<4x64x128xf32, #tpu.memory_space<vmem>>, vector<1x1x16xf32>,
        %parallel_loop3A_319 = arith.addi %rem3A_237, %parallel_loop3A_258 : i32
        %parallel_loop3A_320 = arith.index_cast %parallel_loop3A_319 : i32 to index
        %parallel_loop3A_321 = arith.constant 80 : index
        %parallel_loop3A_322 = tpu.vector_load %arg9[%parallel_loop3A_320, %parallel_loop3A_321] {strides = array<i32>} : memref<256x128xf32, #tpu.memory_space<vmem>>, vector<1x16xf32>,
        %parallel_loop3A_323 = vector.shape_cast %parallel_loop3A_322 : vector<1x16xf32> to vector<16xf32>
        %parallel_loop3A_324 = arith.constant 3 : i32
        %parallel_loop3A_325 = arith.index_cast %parallel_loop3A_324 : i32 to index
        %parallel_loop3A_326 = arith.index_cast %parallel_loop3A_258 : i32 to index
        %parallel_loop3A_327 = arith.constant 80 : index
        %parallel_loop3A_328 = tpu.vector_load %arg8[%parallel_loop3A_325, %parallel_loop3A_326, %parallel_loop3A_327] {strides = array<i32>} : memref<4x64x128xf32, #tpu.memory_space<vmem>>, vector<1x1x16xf32>,
        %parallel_loop3A_329 = vector.shape_cast %parallel_loop3A_328 : vector<1x1x16xf32> to vector<16xf32>
        %parallel_loop3A_330 = vector.shape_cast %parallel_loop3A_323 : vector<16xf32> to vector<1x1x16xf32>
        tpu.vector_store %arg8[%parallel_loop3A_325, %parallel_loop3A_326, %parallel_loop3A_327], %parallel_loop3A_330 {add = true, strides = array<i32>} : memref<4x64x128xf32, #tpu.memory_space<vmem>>, vector<1x1x16xf32>,
        %parallel_loop3A_331 = arith.addi %rem3A_237, %parallel_loop3A_258 : i32
        %parallel_loop3A_332 = arith.index_cast %parallel_loop3A_331 : i32 to index
        %parallel_loop3A_333 = arith.constant 96 : index
        %parallel_loop3A_334 = tpu.vector_load %arg9[%parallel_loop3A_332, %parallel_loop3A_333] {strides = array<i32>} : memref<256x128xf32, #tpu.memory_space<vmem>>, vector<1x16xf32>,
        %parallel_loop3A_335 = vector.shape_cast %parallel_loop3A_334 : vector<1x16xf32> to vector<16xf32>
        %parallel_loop3A_336 = arith.constant 3 : i32
        %parallel_loop3A_337 = arith.index_cast %parallel_loop3A_336 : i32 to index
        %parallel_loop3A_338 = arith.index_cast %parallel_loop3A_258 : i32 to index
        %parallel_loop3A_339 = arith.constant 96 : index
        %parallel_loop3A_340 = tpu.vector_load %arg8[%parallel_loop3A_337, %parallel_loop3A_338, %parallel_loop3A_339] {strides = array<i32>} : memref<4x64x128xf32, #tpu.memory_space<vmem>>, vector<1x1x16xf32>,
        %parallel_loop3A_341 = vector.shape_cast %parallel_loop3A_340 : vector<1x1x16xf32> to vector<16xf32>
        %parallel_loop3A_342 = vector.shape_cast %parallel_loop3A_335 : vector<16xf32> to vector<1x1x16xf32>
        tpu.vector_store %arg8[%parallel_loop3A_337, %parallel_loop3A_338, %parallel_loop3A_339], %parallel_loop3A_342 {add = true, strides = array<i32>} : memref<4x64x128xf32, #tpu.memory_space<vmem>>, vector<1x1x16xf32>,
        %parallel_loop3A_343 = arith.addi %rem3A_237, %parallel_loop3A_258 : i32
        %parallel_loop3A_344 = arith.index_cast %parallel_loop3A_343 : i32 to index
        %parallel_loop3A_345 = arith.constant 112 : index
        %parallel_loop3A_346 = tpu.vector_load %arg9[%parallel_loop3A_344, %parallel_loop3A_345] {strides = array<i32>} : memref<256x128xf32, #tpu.memory_space<vmem>>, vector<1x16xf32>,
        %parallel_loop3A_347 = vector.shape_cast %parallel_loop3A_346 : vector<1x16xf32> to vector<16xf32>
        %parallel_loop3A_348 = arith.constant 3 : i32
        %parallel_loop3A_349 = arith.index_cast %parallel_loop3A_348 : i32 to index
        %parallel_loop3A_350 = arith.index_cast %parallel_loop3A_258 : i32 to index
        %parallel_loop3A_351 = arith.constant 112 : index
        %parallel_loop3A_352 = tpu.vector_load %arg8[%parallel_loop3A_349, %parallel_loop3A_350, %parallel_loop3A_351] {strides = array<i32>} : memref<4x64x128xf32, #tpu.memory_space<vmem>>, vector<1x1x16xf32>,
        %parallel_loop3A_353 = vector.shape_cast %parallel_loop3A_352 : vector<1x1x16xf32> to vector<16xf32>
        %parallel_loop3A_354 = vector.shape_cast %parallel_loop3A_347 : vector<16xf32> to vector<1x1x16xf32>
        tpu.vector_store %arg8[%parallel_loop3A_349, %parallel_loop3A_350, %parallel_loop3A_351], %parallel_loop3A_354 {add = true, strides = array<i32>} : memref<4x64x128xf32, #tpu.memory_space<vmem>>, vector<1x1x16xf32>,
      } {sc.loop_unroll_factor = 4 : i64, sc.parallel_access}
      %mul3A_241 = arith.constant 64 : i32
      %mul3A_242 = arith.muli %add3A_210, %mul3A_241 : i32
      %add3A_243 = arith.addi %mul3A_2, %mul3A_242 : i32
      %dma_start3A_244 = arith.constant 3 : i32
      %dma_start3A_245 = arith.constant 0 : i32
      %dma_start3A_246 = arith.constant 0 : i32
      %dma_start3A_247 = tpu.memref_slice %arg8[%dma_start3A_244, %dma_start3A_245, %dma_start3A_246] : memref<4x64x128xf32, #tpu.memory_space<vmem>> -> memref<1x64x128xf32, #tpu.memory_space<vmem>>
      %dma_start3A_248 = tpu.memref_squeeze %dma_start3A_247 : memref<1x64x128xf32, #tpu.memory_space<vmem>> -> memref<64x128xf32, #tpu.memory_space<vmem>>
      %dma_start3A_249 = arith.constant 0 : i32
      %dma_start3A_250 = tpu.memref_slice %arg5[%add3A_243, %dma_start3A_249] : memref<204800x128xf32, #tpu.memory_space<hbm>> -> memref<64x128xf32, #tpu.memory_space<hbm>>
      %dma_start3A_251 = arith.constant 0 : i32
      %dma_start3A_252 = tpu.memref_slice %arg5[%add3A_243, %dma_start3A_251] : memref<204800x128xf32, #tpu.memory_space<hbm>> -> memref<64x128xf32, #tpu.memory_space<hbm>>
      %dma_start3A_253 = arith.constant 0 : i32
      %dma_start3A_254 = arith.constant 0 : i32
      %dma_start3A_255 = tpu.memref_slice %arg8[%dma_start3A_244, %dma_start3A_253, %dma_start3A_254] : memref<4x64x128xf32, #tpu.memory_space<vmem>> -> memref<1x64x128xf32, #tpu.memory_space<vmem>>
      %dma_start3A_256 = tpu.memref_squeeze %dma_start3A_255 : memref<1x64x128xf32, #tpu.memory_space<vmem>> -> memref<64x128xf32, #tpu.memory_space<vmem>>
      tpu.enqueue_dma source(%dma_start3A_256 : memref<64x128xf32, #tpu.memory_space<vmem>>) target(%dma_start3A_252 : memref<64x128xf32, #tpu.memory_space<hbm>>) target_semaphore(%arg18 : memref<!tpu.dma_semaphore, #tpu.memory_space<semaphore_mem>>)
      %scan3A_257 = arith.constant 0 : i32
      scf.yield %scan3A_257 : i32
    }
    %scan3A_29 = arith.constant 25 : i32
    %add3A_30 = arith.constant 6272 : i32
    %add3A_31 = arith.addi %mul3A_2, %add3A_30 : i32
    %dma_wait3A = arith.constant 2 : i32
    %dma_wait3A_32 = arith.constant 0 : i32
    %dma_wait3A_33 = arith.constant 0 : i32
    %dma_wait3A_34 = tpu.memref_slice %arg8[%dma_wait3A, %dma_wait3A_32, %dma_wait3A_33] : memref<4x64x128xf32, #tpu.memory_space<vmem>> -> memref<1x64x128xf32, #tpu.memory_space<vmem>>
    %dma_wait3A_35 = tpu.memref_squeeze %dma_wait3A_34 : memref<1x64x128xf32, #tpu.memory_space<vmem>> -> memref<64x128xf32, #tpu.memory_space<vmem>>
    %dma_wait3A_36 = arith.constant 0 : i32
    %dma_wait3A_37 = tpu.memref_slice %arg5[%add3A_31, %dma_wait3A_36] : memref<204800x128xf32, #tpu.memory_space<hbm>> -> memref<64x128xf32, #tpu.memory_space<hbm>>
    %dma_wait3A_38 = arith.constant 0 : i32
    %dma_wait3A_39 = tpu.memref_slice %arg5[%add3A_31, %dma_wait3A_38] : memref<204800x128xf32, #tpu.memory_space<hbm>> -> memref<64x128xf32, #tpu.memory_space<hbm>>
    %dma_wait3A_40 = arith.constant 0 : i32
    %dma_wait3A_41 = arith.constant 0 : i32
    %dma_wait3A_42 = tpu.memref_slice %arg8[%dma_wait3A, %dma_wait3A_40, %dma_wait3A_41] : memref<4x64x128xf32, #tpu.memory_space<vmem>> -> memref<1x64x128xf32, #tpu.memory_space<vmem>>
    %dma_wait3A_43 = tpu.memref_squeeze %dma_wait3A_42 : memref<1x64x128xf32, #tpu.memory_space<vmem>> -> memref<64x128xf32, #tpu.memory_space<vmem>>
    tpu.wait_dma2 semaphore(%arg17 : memref<!tpu.dma_semaphore, #tpu.memory_space<semaphore_mem>>) src(%dma_wait3A_43 : memref<64x128xf32, #tpu.memory_space<vmem>>) dst(%dma_wait3A_39 : memref<64x128xf32, #tpu.memory_space<hbm>>)
    %add3A_44 = arith.constant 6336 : i32
    %add3A_45 = arith.addi %mul3A_2, %add3A_44 : i32
    %dma_wait3A_46 = arith.constant 3 : i32
    %dma_wait3A_47 = arith.constant 0 : i32
    %dma_wait3A_48 = arith.constant 0 : i32
    %dma_wait3A_49 = tpu.memref_slice %arg8[%dma_wait3A_46, %dma_wait3A_47, %dma_wait3A_48] : memref<4x64x128xf32, #tpu.memory_space<vmem>> -> memref<1x64x128xf32, #tpu.memory_space<vmem>>
    %dma_wait3A_50 = tpu.memref_squeeze %dma_wait3A_49 : memref<1x64x128xf32, #tpu.memory_space<vmem>> -> memref<64x128xf32, #tpu.memory_space<vmem>>
    %dma_wait3A_51 = arith.constant 0 : i32
    %dma_wait3A_52 = tpu.memref_slice %arg5[%add3A_45, %dma_wait3A_51] : memref<204800x128xf32, #tpu.memory_space<hbm>> -> memref<64x128xf32, #tpu.memory_space<hbm>>
    %dma_wait3A_53 = arith.constant 0 : i32
    %dma_wait3A_54 = tpu.memref_slice %arg5[%add3A_45, %dma_wait3A_53] : memref<204800x128xf32, #tpu.memory_space<hbm>> -> memref<64x128xf32, #tpu.memory_space<hbm>>
    %dma_wait3A_55 = arith.constant 0 : i32
    %dma_wait3A_56 = arith.constant 0 : i32
    %dma_wait3A_57 = tpu.memref_slice %arg8[%dma_wait3A_46, %dma_wait3A_55, %dma_wait3A_56] : memref<4x64x128xf32, #tpu.memory_space<vmem>> -> memref<1x64x128xf32, #tpu.memory_space<vmem>>
    %dma_wait3A_58 = tpu.memref_squeeze %dma_wait3A_57 : memref<1x64x128xf32, #tpu.memory_space<vmem>> -> memref<64x128xf32, #tpu.memory_space<vmem>>
    tpu.wait_dma2 semaphore(%arg18 : memref<!tpu.dma_semaphore, #tpu.memory_space<semaphore_mem>>) src(%dma_wait3A_58 : memref<64x128xf32, #tpu.memory_space<vmem>>) dst(%dma_wait3A_54 : memref<64x128xf32, #tpu.memory_space<hbm>>)
    return
  }
}

</mosaic_0001>

<sc_bundles>
// kernel: kernel.3.cloned.1.call-start
scs
__scs_entry_jumppad:
0x0: {  	(pc) =	sbr.rel $0x88, $3  }
0x1: {  	(tag) =	ssettag $0x0;
	lr =	simm.s32 $0x1  }
0x2: {  	[smem:$0x3F9F] =	sst lr;
	_ =	strace $0xD0000000  }
0x3: {  	_ = 	snop  }
0x4: {  	_ = 	snop  }
0x5: {  	_ = 	snop  }
0x6: {  	_ = 	snop  }
0x7: {  	_ = 	snop  }
__scs_overlays_trampoline_lowered:
0x8: {  	[smem:$0x3FAE] =	sst s0  }
0x9: {  	[smem:$0x3FAF] =	sst s1  }
0xa: {  	[smem:$0x3FB0] =	sst s2  }
0xb: {  	[smem:$0x3FB1] =	sst s3  }
0xc: {  	[smem:$0x3FB2] =	sst s4  }
0xd: {  	[smem:$0x3FB3] =	sst s5  }
0xe: {  	[smem:$0x3FB4] =	sst s6  }
0xf: {  	[smem:$0x3FB5] =	sst s7  }
0x10: {  	[smem:$0x3FB6] =	sst s8  }
0x11: {  	[smem:$0x3FB7] =	sst s9;
	s0 =	simm.s32 @!p0 $0x0  }
0x12: {  	s1 =	sld [smem:$0x3F9D];
	s0 =	simm.s32 @p0 $0x1  }
0x13: {  	[smem:$0x3FB8] =	sst s0;
	s0 =	simm.s32 @!p1 $0x0  }
0x14: {  	s2 =	sld [smem:$0x3F9C];
	s0 =	simm.s32 @p1 $0x1  }
0x15: {  	[smem:$0x3FB9] =	sst s0;
	s0 =	simm.s32 @!p2 $0x0  }
0x16: {  	s3 =	sld [smem:$0x3FDB];
	s0 =	simm.s32 @p2 $0x1  }
0x17: {  	s4 =	simm.s32 $0x1BF5;
	[smem:$0x3FBB] =	sst s0  }
0x18: {  	s0 =	sld [smem:$0x3F9E];
	_ =	swait.ge [sflag:s4], $0x0  }
0x19: {  	s7 =	sld [smem:$0x3F9F]  }
0x1a: {  	s8 =	sadd.s32 $0xFFFFE003, lr  }
0x1b: {  	s9 =	sadd.s32 $0xFFFFFEF7, lr;
	s5 =	simm.s32 $0xFFFFFFFF;
	p2 =	slt.u32 s8, $0xFFFFF086  }
0x1c: {  	p1 =	slt.u32 s9, $0xF7A;
	s5 =	simm.s32 @!p2 $0x0  }
0x1d: {  	s5 =	simm.s32 @p1 $0x1;
	p0 =	seq.s32 s7, s2  }
0x1e: {  	s7 =	smul.u32 @!p0 $0xF7A, s2;
	p2 =	seq.s32 @!p0 s5, $0x0  }
0x1f: {  	s9 =	smul.u32 $0xF7A, s1;
	s8 =	simm.s32 @!p0 $0x1BF5;
	p2 =	por !p2, p0  }
0x20: {  	[sflag:s8] =	ssyncset.s32 @!p0 $0xFFFFF086;
	s6 =	sadd.s32 @!p0 s3, s7;
	s7 =	simm.s32 @!p0 $0x108  }
0x21: {  	s3 =	sadd.s32 s3, s9;
	s6 =	sadd.s32 @!p0 $0x88, s6;
	s7 =	simm.s32 @p2 $0x1082  }
0x22: {  	[simem:s7], [sflag:s8] =	dma.local @!p0 [hbm:s6], $0xF7A  }
0x23: {  	s9 =	sor.u32 $0xD0000000, s2;
	s6 =	simm.s32 $0x108;
	_ =	swait.ge @!p0 [sflag:s8], $0x0  }
0x24: {  	s3 =	sadd.s32 $0x88, s3;
	s6 =	simm.s32 @!p1 $0x1082;
	[sflag:s4] =	ssyncset.s32 $0xFFFFF086  }
0x25: {  	[simem:s6], [sflag:s4] =	dma.local [hbm:s3], $0xF7A  }
0x26: {  	[smem:$0x3F9F] =	sst s1;
	(tag) =	ssettag s2;
	_ =	strace s9  }
0x27: {  	s1 =	sld [smem:$0x3FAF]  }
0x28: {  	s2 =	sld [smem:$0x3FB0]  }
0x29: {  	s4 =	sld [smem:$0x3FB2]  }
0x2a: {  	p0 =	seq.s32 s5, $0x0;
	s5 =	sld [smem:$0x3FB3]  }
0x2b: {  	s6 =	sld [smem:$0x3FB4]  }
0x2c: {  	s7 =	sld [smem:$0x3FB5]  }
0x2d: {  	s3 =	simm.s32 $0x108;
	s8 =	sld [smem:$0x3FB6]  }
0x2e: {  	s3 =	simm.s32 @!p0 $0x1082;
	s9 =	sld [smem:$0x3FB7]  }
0x2f: {  	lr =	sadd.s32 s0, s3;
	s0 =	sld [smem:$0x3FAE]  }
0x30: {  	s3 =	sld [smem:$0x3FB1]  }
0x31: {  	[smem:$0x3FBA] =	sst s10  }
0x32: {  	s10 =	sld [smem:$0x3FB8];
	_ =	sdelay $0x3  }
0x33: {  	p0 =	seq.s32 s10, $0x1;
	s10 =	sld [smem:$0x3FBA];
	_ =	sdelay $0x3  }
0x34: {  	[smem:$0x3FBA] =	sst s10  }
0x35: {  	s10 =	sld [smem:$0x3FB9];
	_ =	sdelay $0x3  }
0x36: {  	p1 =	seq.s32 s10, $0x1;
	s10 =	sld [smem:$0x3FBA];
	_ =	sdelay $0x3  }
0x37: {  	[smem:$0x3FBA] =	sst s10  }
0x38: {  	s10 =	sld [smem:$0x3FBB]  }
0x39: {  	_ = 	snop;
	(pc) =	sbr.ind lr, $3  }
0x3a: {  	_ = 	snop  }
0x3b: {  	_ = 	snop  }
0x3c: {  	p2 =	seq.s32 s10, $0x1;
	s10 =	sld [smem:$0x3FBA]  }
0x3d: {  	_ =	shalt  }
0x3e: {  	_ =	shalt  }
0x3f: {  	_ =	shalt  }
0x40: {  	_ =	shalt  }
0x41: {  	_ =	shalt  }
0x42: {  	_ =	shalt  }
0x43: {  	_ =	shalt  }
0x44: {  	_ =	shalt  }
0x45: {  	_ =	shalt  }
0x46: {  	_ =	shalt  }
0x47: {  	_ =	shalt  }
0x48: {  	_ =	shalt  }
0x49: {  	_ =	shalt  }
0x4a: {  	_ =	shalt  }
0x4b: {  	_ =	shalt  }
0x4c: {  	_ =	shalt  }
0x4d: {  	_ =	shalt  }
0x4e: {  	_ =	shalt  }
0x4f: {  	_ =	shalt  }
0x50: {  	_ =	shalt  }
0x51: {  	_ =	shalt  }
0x52: {  	_ =	shalt  }
0x53: {  	_ =	shalt  }
0x54: {  	_ =	shalt  }
0x55: {  	_ =	shalt  }
0x56: {  	_ =	shalt  }
0x57: {  	_ =	shalt  }
0x58: {  	_ =	shalt  }
0x59: {  	_ =	shalt  }
0x5a: {  	_ =	shalt  }
0x5b: {  	_ =	shalt  }
0x5c: {  	_ =	shalt  }
0x5d: {  	_ =	shalt  }
0x5e: {  	_ =	shalt  }
0x5f: {  	_ =	shalt  }
0x60: {  	_ =	shalt  }
0x61: {  	_ =	shalt  }
0x62: {  	_ =	shalt  }
0x63: {  	_ =	shalt  }
0x64: {  	_ =	shalt  }
0x65: {  	_ =	shalt  }
0x66: {  	_ =	shalt  }
0x67: {  	_ =	shalt  }
0x68: {  	_ =	shalt  }
0x69: {  	_ =	shalt  }
0x6a: {  	_ =	shalt  }
0x6b: {  	_ =	shalt  }
0x6c: {  	_ =	shalt  }
0x6d: {  	_ =	shalt  }
0x6e: {  	_ =	shalt  }
0x6f: {  	_ =	shalt  }
0x70: {  	_ =	shalt  }
0x71: {  	_ =	shalt  }
0x72: {  	_ =	shalt  }
0x73: {  	_ =	shalt  }
0x74: {  	_ =	shalt  }
0x75: {  	_ =	shalt  }
0x76: {  	_ =	shalt  }
0x77: {  	_ =	shalt  }
0x78: {  	_ =	shalt  }
0x79: {  	_ =	shalt  }
0x7a: {  	_ =	shalt  }
0x7b: {  	_ =	shalt  }
0x7c: {  	_ =	shalt  }
0x7d: {  	_ =	shalt  }
0x7e: {  	_ =	shalt  }
0x7f: {  	_ =	shalt  }
0x80: {  	_ =	shalt  }
0x81: {  	_ =	shalt  }
0x82: {  	_ =	shalt  }
0x83: {  	_ =	shalt  }
0x84: {  	_ =	shalt  }
0x85: {  	_ =	shalt  }
0x86: {  	_ =	shalt  }
0x87: {  	_ =	shalt  }
.Lfunc_end0:
.L_simem_size_0:
called_computation_lowered:
.L_overlay_start_0:
0x88: {  	s2 =	sld [smem:$0x3FD9]  }
0x89: {  	s3 =	sld [smem:$0x3FFE];
	_ =	sdelay $0x1  }
0x8a: {  	s1 =	srdreg.scid  }
0x8b: {  	s0 =	sand.u32 $0x1, s1  }
0x8c: {  	s17 =	sshll.u32 s0, $0xA;
	s2 =	sadd.s32 s3, s2  }
0x8d: {  	s2 =	sadd.s32 s2, s17  }
0x8e: {  	[smem:$0x3FC6] =	sst s2  }
0x8f: {  	_ = 	snop  }
0x90: {  	s2 =	sld [smem:$0x3FD0];
	(tm) =	ssettm $0x1  }
0x91: {  	s18 =	sld [smem:$0x3FFB];
	_ =	sdelay $0x3  }
0x92: {  	_ =	strace s18  }
0x93: {  	s3 =	sld [smem:$0x3FFC];
	_ =	sdelay $0x3  }
0x94: {  	_ =	strace s3  }
0x95: {  	s3 =	sld [smem:$0x3FFD];
	_ =	sdelay $0x3  }
0x96: {  	_ =	strace s3  }
0x97: {  	_ =	strace $0x8FFFFFFF  }
0x98: {  	s19 =	sld [smem:$0x3FDB];
	_ =	sdelay $0x1  }
0x99: {  	s4 =	simm.s32 $_scs_section_size  }
0x9a: {  	s5 =	simm.s32 $_size__tile_overlayer_lowered;
	s6 =	simm.s32 $_tile_overlayer_lowered  }
0x9b: {  	s22 =	simm.s32 $0x1BFF;
	s21 =	sshll.u32 s6, $0x1;
	s3 =	sadd.s32 s4, s19  }
0x9c: {  	s7 =	simm.s32 $0x0;
	s20 =	sshll.u32 s5, $0x1;
	s5 =	sadd.s32 s21, s3  }
0x9d: {  	[timem:s7], [sflag:s22] =	dma.local [hbm:s5], s20  }
0x9e: {  	_ =	swait.ge [sflag:s22], s20  }
0x9f: {  	s4 =	ssub.s32 $0x0, s20;
	[sflag:s22] =	ssyncset.done $0x0  }
0xa0: {  	[sflag:s22] =	ssyncadd.s32 s4;
	_ =	sdelay $0x1  }
0xa1: {  	s23 =	simm.s32 $0x1B8B  }
0xa2: {  	_ =	swait.ge [sflag:s23], $0x1  }
0xa3: {  	[sflag:s23] =	ssyncset.done $0x0  }
0xa4: {  	s25 =	simm.s32 $0x1B8E;
	s24 =	sld [smem:$0x3FFE];
	[sflag:s23] =	ssyncadd.s32 $0xFFFFFFFF  }
0xa5: {  	s26 =	simm.s32 $execute0_lowered;
	[smem:$0x3FD2] =	sst s25  }
0xa6: {  	s5 =	sshll.u32 s26, $0x1;
	_ =	strace $0x80000046;
	[dreg:$0x1] =	wrdreg $0xFFFFFFFF  }
0xa7: {  	s28 =	simm.s32 $_size_execute0_lowered;
	s3 =	sadd.s32 s3, s5;
	[dreg:$0x0] =	wrdreg $0x0  }
0xa8: {  	s5 =	sshll.u32 s28, $0x1;
	[dreg:$0x2] =	wrdreg s3  }
0xa9: {  	[dreg:$0x3] =	wrdreg s5  }
0xaa: {  	[dreg:$0x4] =	wrdreg $0xC0  }
0xab: {  	_ =	task [dreg:s7], $0x5FFFF  }
0xac: {  	[dreg:$0x1] =	wrdreg $0xFFFFFFFF  }
0xad: {  	[dreg:$0x0] =	wrdreg $0x60  }
0xae: {  	[dreg:$0x2] =	wrdreg s24  }
0xaf: {  	[dreg:$0x3] =	wrdreg s2  }
0xb0: {  	[dreg:$0x4] =	wrdreg $0x19000  }
0xb1: {  	[dreg:$0x5] =	wrdreg $0x9  }
0xb2: {  	_ =	task.clear_ibuf [dreg:s7], $0x6FFFF;
	_ =	strace $0x90000046  }
0xb3: {  	s29 =	simm.s32 $0x9;
	_ =	strace $0x80000048  }
0xb4: {  	_ =	swait.ge [sflag:s29], $0x1  }
0xb5: {  	[sflag:s29] =	ssyncadd.s32 $0xFFFFFFFF  }
0xb6: {  	_ =	strace $0x90000048  }
0xb7: {  	_ =	sfence  }
0xb8: {  	s30 =	sld [smem:$0x0];
	_ =	sdelay $0x2  }
0xb9: {  	s31 =	sshll.u32 s1, $0xD;
	s1 =	sshrl.u32 s1, $0x2  }
0xba: {  	s3 =	sand.u32 $0x4000, s31;
	s1 =	sadd.s32 s1, s30  }
0xbb: {  	s0 =	sor.u32 s3, s0;
	s1 =	sshll.u32 s1, $0x11  }
0xbc: {  	s0 =	sor.u32 s1, s0  }
0xbd: {  	s0 =	sadd.s32 $0x8F2B, s0  }
0xbe: {  	[sflag:s0] =	ssyncadd.remote.s32 $0x1  }
0xbf: {  	_ =	sfence.sel $0xFFFF  }
0xc0: {  	[dreg:$0x0] =	wrdreg $0xFFFFFFFF;
	(pc) =	sbr.abs _section_cstart, $3  }
0xc1: {  	[dreg:$0x1] =	wrdreg $0xFFFFFFFF  }
0xc2: {  	_ =	task.clear_ibuf [dreg:s7], $0x2FFFF;
	_ =	strace $0x9FFFFFFF  }
0xc3: {  	(tm) =	ssettm $0x7FFFFFFF  }
tec
execute0_lowered:
.L_overlay_start_1:
0x0: {  	(tag) =	ssettag $0x1  }
0x1: {  	s0 =	srdreg.scid;
	s6 =	rddreg [dreg:$0x0]  }
0x2: {  	s5 =	stileid.u32;
	s1 =	rddreg [dreg:$0x1];
	s4 =	simm.s32 $0x0  }
0x3: {  	s15 =	simm.s32 $0x2;
	s16 =	simm.s32 $0x40;
	s17 =	simm.s32 $0x5B58  }
0x4: {  	s18 =	simm.s32 $0x3;
	s19 =	simm.s32 $0x7B58;
	s20 =	simm.s32 $0x4  }
0x5: {  	s0 =	sand.u32 $0x1, s0;
	s2 =	sshll.u32 s5, $0x1;
	[smem:$0x7FF] =	sst s4  }
0x6: {  	s9 =	sadd.s32 $0x7C00, s6;
	s3 =	sor.u32 s0, s2;
	s0 =	ssub.s32 $0x2, s0  }
0x7: {  	p0 =	sne.s32 s5, $0x0;
	s3 =	smul.u32 $0x1900, s3;
	s8 =	sshrl.u32 s0, $0x1  }
0x8: {  	s2 =	rddreg [dreg:$0x2];
	_ =	strace $0x80000047;
	s0 =	ssub.s32 s0, s8  }
0x9: {  	[dreg:$0x4] =	wrdreg s9;
	s7 =	sshrl.u32 s3, $0x3;
	s0 =	smax.u32 s0, $0x1  }
0xa: {  	s7 =	sadd.s32 s7, s6;
	s6 =	sadd.s32 $0x6C00, s6;
	[dreg:$0x7] =	wrdreg s0  }
0xb: {  	s21 =	simm.s32 $0x6;
	s0 =	sshrl.u32 @!p0 s2, $0x3;
	[dreg:$0x5] =	wrdreg s6  }
0xc: {  	s22 =	simm.s32 $0x5;
	s31 =	sadd.s32 $0x800, s7;
	[dreg:$0x8] =	wrdreg s0  }
0xd: {  	s23 =	simm.s32 $0x7;
	s6 =	simm.s32 $0x0;
	[dreg:$0x6] =	wrdreg s31  }
.LBB2_1:
0xe: {  	[dreg:$0x9] =	wrdreg s6  }
0xf: {  	s0 =	rddreg [dreg:$0x5];
	s5 =	simm.s32 $0x9B58  }
0x10: {  	[tilespmem:s5], [sflag:$0x1] =	stream.linear.gather [hbm4b:s0+s4], $0x8000, $0x38;
	[tilespmem:$0x11B58] =	vst v63  }
0x11: {  	s13 =	rddreg [dreg:$0x6];
	s14 =	simm.s32 $0xA  }
0x12: {  	[tilespmem:s4], [sflag:$0xA] =	stream.linear.gather [hbm4b:s13+s4], $0x1900, $0x38;
	[tilespmem:$0x11B58] =	vst v63  }
0x13: {  	_ =	swait.ge [sflag:s14], $0x1900  }
0x14: {  	[sflag:s14] =	ssyncset.done $0x0;
	s5 =	rddreg [dreg:$0x4]  }
0x15: {  	s0 =	simm.s32 @!p0 $0x1C0A;
	s6 =	rddreg [dreg:$0x8];
	[sflag:s14] =	ssyncadd.s32 $0xFFFFE700  }
0x16: {  	[spmem:s6], [sflag:s0] =	dma.local @!p0 [hbm:s5], $0x4B0  }
0x17: {  	s0 =	simm.s32 @!p0 $0xA  }
0x18: {  	_ =	swait.ge @!p0 [sflag:s0], $0x4B0  }
0x19: {  	[sflag:s0] =	ssyncset.done @!p0 $0x0  }
0x1a: {  	s24 =	simm.s32 $0x1B58;
	[sflag:s0] =	ssyncadd.s32 @!p0 $0xFFFFFB50  }
0x1b: {  	s25 =	simm.s32 $0x3B58;
	s26 =	simm.s32 $0x1;
	[bflag:$0x0] =	sbarrier.arrive $0xFFFF  }
0x1c: {  	[tilespmem:s24], [sflag:$0x2] =	stream.indirect.gather [spmem:s2], $0x80, s4, s16, $0xb8;
	[tilespmem:$0x11B58] =	vst v63  }
0x1d: {  	s28 =	simm.s32 $0xBB58;
	s29 =	simm.s32 $0xDB58;
	s30 =	simm.s32 $0x80  }
0x1e: {  	[tilespmem:s25], [sflag:$0x3] =	stream.indirect.gather [spmem:s2], $0x80, s16, s16, $0xb8;
	[tilespmem:$0x11B58] =	vst v63  }
0x1f: {  	s31 =	simm.s32 $0xFB58;
	s9 =	simm.s32 $0x40;
	_ =	swait.ge [sflag:s26], $0x8000  }
0x20: {  	s7 =	simm.s32 $0x0;
	s5 =	simm.s32 $0x0;
	[sflag:s26] =	ssyncset.done $0x0  }
0x21: {  	s6 =	simm.s32 $0x9B58;
	s0 =	simm.s32 $0xC0;
	[sflag:s26] =	ssyncadd.s32 $0xFFFF8000  }
.LBB2_2:
0x22: {  	s8 =	smulhi.u32 $0x51EB851F, s5;
	_ =	sdelay $0x1  }
0x23: {  	s8 =	sshrl.u32 s8, $0x6  }
0x24: {  	s8 =	smul.u32 $0xFFFE7000, s8;
	_ =	sdelay $0x1  }
0x25: {  	_ =	swait.ge [sflag:s15], $0x2000;
	s8 =	sshra.s32 s8, $0x2  }
0x26: {  	p1 =	seq.s32 s7, $0x0;
	[sflag:s15] =	ssyncset.done $0x0;
	s8 =	sadd.s32 s8, s6  }
0x27: {  	s11 =	sshll.u32 s7, $0x2;
	s10 =	simm.s32 @!p1 $0x8;
	[sflag:s15] =	ssyncadd.s32 $0xFFFFE000;
	v0 =	vmov s8  }
0x28: {  	s12 =	sor.u32 $0x2, s11;
	_ =	swait.ge @!p1 [sflag:s10], $0x2000  }
0x29: {  	[sflag:s10] =	ssyncset.done @!p1 $0x0;
	s8 =	sshll.u32 s12, $0x6  }
0x2a: {  	s25 =	simm.s32 $0x0;
	[sflag:s10] =	ssyncadd.s32 @!p1 $0xFFFFE000;
	s14 =	sand.u32 $0x3FFFFFC0, s8  }
0x2b: {  	[tilespmem:s17], [sflag:$0x4] =	stream.indirect.gather [spmem:s2], $0x80, s14, s16, $0xb8;
	[tilespmem:$0x11B58] =	vst v63  }
0x2c: {  	v1 =	vld.idx.msk [tilespmem:v0+s25+$0x180 ss:$0x1], $0xffff  }
0x2d: {  	v2 =	vld.idx.msk [tilespmem:v0+s25+$0x0 ss:$0x1], $0xffff  }
0x2e: {  	v3 =	vld.idx.msk [tilespmem:v0+s25+$0x80 ss:$0x1], $0xffff;
	_ =	sdelay $0x1  }
0x2f: {  	v4 =	vld.idx.msk [tilespmem:v0+s25+$0x100 ss:$0x1], $0xffff  }
0x30: {  	[tilespmem:s25+$0x1CD8] =	vst.add.f32.msk $0xffff, v1  }
0x31: {  	[tilespmem:s25+$0x1B58] =	vst.add.f32.msk $0xffff, v2  }
0x32: {  	[tilespmem:s25+$0x1BD8] =	vst.add.f32.msk $0xffff, v3  }
0x33: {  	v1 =	vld.idx.msk [tilespmem:v0+s25+$0x190 ss:$0x1], $0xffff  }
0x34: {  	v2 =	vld.idx.msk [tilespmem:v0+s25+$0x10 ss:$0x1], $0xffff  }
0x35: {  	v3 =	vld.idx.msk [tilespmem:v0+s25+$0x90 ss:$0x1], $0xffff  }
0x36: {  	[tilespmem:s25+$0x1C58] =	vst.add.f32.msk $0xffff, v4  }
0x37: {  	v4 =	vld.idx.msk [tilespmem:v0+s25+$0x110 ss:$0x1], $0xffff  }
0x38: {  	[tilespmem:s25+$0x1CE8] =	vst.add.f32.msk $0xffff, v1  }
0x39: {  	[tilespmem:s25+$0x1B68] =	vst.add.f32.msk $0xffff, v2  }
0x3a: {  	[tilespmem:s25+$0x1BE8] =	vst.add.f32.msk $0xffff, v3  }
0x3b: {  	v1 =	vld.idx.msk [tilespmem:v0+s25+$0x1A0 ss:$0x1], $0xffff  }
0x3c: {  	v2 =	vld.idx.msk [tilespmem:v0+s25+$0x20 ss:$0x1], $0xffff  }
0x3d: {  	v3 =	vld.idx.msk [tilespmem:v0+s25+$0xA0 ss:$0x1], $0xffff  }
0x3e: {  	[tilespmem:s25+$0x1C68] =	vst.add.f32.msk $0xffff, v4  }
0x3f: {  	v4 =	vld.idx.msk [tilespmem:v0+s25+$0x120 ss:$0x1], $0xffff  }
0x40: {  	[tilespmem:s25+$0x1CF8] =	vst.add.f32.msk $0xffff, v1  }
0x41: {  	[tilespmem:s25+$0x1B78] =	vst.add.f32.msk $0xffff, v2  }
0x42: {  	[tilespmem:s25+$0x1BF8] =	vst.add.f32.msk $0xffff, v3  }
0x43: {  	v1 =	vld.idx.msk [tilespmem:v0+s25+$0x1B0 ss:$0x1], $0xffff  }
0x44: {  	v2 =	vld.idx.msk [tilespmem:v0+s25+$0x30 ss:$0x1], $0xffff  }
0x45: {  	v3 =	vld.idx.msk [tilespmem:v0+s25+$0xB0 ss:$0x1], $0xffff  }
0x46: {  	[tilespmem:s25+$0x1C78] =	vst.add.f32.msk $0xffff, v4  }
0x47: {  	v4 =	vld.idx.msk [tilespmem:v0+s25+$0x130 ss:$0x1], $0xffff  }
0x48: {  	[tilespmem:s25+$0x1D08] =	vst.add.f32.msk $0xffff, v1  }
0x49: {  	[tilespmem:s25+$0x1B88] =	vst.add.f32.msk $0xffff, v2  }
0x4a: {  	[tilespmem:s25+$0x1C08] =	vst.add.f32.msk $0xffff, v3  }
0x4b: {  	v1 =	vld.idx.msk [tilespmem:v0+s25+$0x1C0 ss:$0x1], $0xffff  }
0x4c: {  	v2 =	vld.idx.msk [tilespmem:v0+s25+$0x40 ss:$0x1], $0xffff  }
0x4d: {  	v3 =	vld.idx.msk [tilespmem:v0+s25+$0xC0 ss:$0x1], $0xffff  }
0x4e: {  	[tilespmem:s25+$0x1C88] =	vst.add.f32.msk $0xffff, v4  }
0x4f: {  	v4 =	vld.idx.msk [tilespmem:v0+s25+$0x140 ss:$0x1], $0xffff  }
0x50: {  	[tilespmem:s25+$0x1D18] =	vst.add.f32.msk $0xffff, v1  }
0x51: {  	[tilespmem:s25+$0x1B98] =	vst.add.f32.msk $0xffff, v2  }
0x52: {  	[tilespmem:s25+$0x1C18] =	vst.add.f32.msk $0xffff, v3  }
0x53: {  	v1 =	vld.idx.msk [tilespmem:v0+s25+$0x1D0 ss:$0x1], $0xffff  }
0x54: {  	v2 =	vld.idx.msk [tilespmem:v0+s25+$0x50 ss:$0x1], $0xffff  }
0x55: {  	[tilespmem:s25+$0x1C98] =	vst.add.f32.msk $0xffff, v4  }
0x56: {  	v3 =	vld.idx.msk [tilespmem:v0+s25+$0xD0 ss:$0x1], $0xffff  }
0x57: {  	v4 =	vld.idx.msk [tilespmem:v0+s25+$0x150 ss:$0x1], $0xffff  }
0x58: {  	[tilespmem:s25+$0x1D28] =	vst.add.f32.msk $0xffff, v1  }
0x59: {  	[tilespmem:s25+$0x1BA8] =	vst.add.f32.msk $0xffff, v2  }
0x5a: {  	v1 =	vld.idx.msk [tilespmem:v0+s25+$0x1E0 ss:$0x1], $0xffff  }
0x5b: {  	[tilespmem:s25+$0x1C28] =	vst.add.f32.msk $0xffff, v3  }
0x5c: {  	[tilespmem:s25+$0x1CA8] =	vst.add.f32.msk $0xffff, v4  }
0x5d: {  	v2 =	vld.idx.msk [tilespmem:v0+s25+$0x60 ss:$0x1], $0xffff  }
0x5e: {  	s13 =	smulhi.u32 $0x51EB851F, s9;
	v5 =	vld.idx.msk [tilespmem:v0+s25+$0xE0 ss:$0x1], $0xffff  }
0x5f: {  	s24 =	smulhi.u32 $0x51EB851F, s0;
	[tilespmem:s25+$0x1D38] =	vst.add.f32.msk $0xffff, v1  }
0x60: {  	s26 =	smulhi.u32 $0x51EB851F, s30;
	s13 =	sshrl.u32 s13, $0x6;
	v1 =	vld.idx.msk [tilespmem:v0+s25+$0x1F0 ss:$0x1], $0xffff  }
0x61: {  	s13 =	smul.u32 $0xFFFE7000, s13;
	s10 =	sshrl.u32 s24, $0x6;
	v3 =	vld.idx.msk [tilespmem:v0+s25+$0x160 ss:$0x1], $0xffff  }
0x62: {  	s10 =	smul.u32 $0xFFFE7000, s10;
	s12 =	sshrl.u32 s26, $0x6;
	[tilespmem:s25+$0x1BB8] =	vst.add.f32.msk $0xffff, v2  }
0x63: {  	s13 =	sshra.s32 s13, $0x2;
	s12 =	smul.u32 $0xFFFE7000, s12;
	[tilespmem:s25+$0x1C38] =	vst.add.f32.msk $0xffff, v5  }
0x64: {  	s24 =	sshll.u32 s7, $0x8;
	s26 =	sadd.s32 s13, s28;
	v2 =	vld.idx.msk [tilespmem:v0+s25+$0x70 ss:$0x1], $0xffff  }
0x65: {  	s13 =	simm.s32 $0x800;
	s10 =	sshra.s32 s10, $0x2;
	s12 =	sshra.s32 s12, $0x2;
	[tilespmem:s25+$0x1D48] =	vst.add.f32.msk $0xffff, v1  }
0x66: {  	s10 =	sadd.s32 s10, s31;
	s14 =	sadd.s32 s12, s29;
	s12 =	simm.s32 $0x0;
	v1 =	vld.idx.msk [tilespmem:v0+s25+$0xF0 ss:$0x1], $0xffff  }
.LBB2_3:
0x67: {  	s17 =	sshra.s32 s13, $0x2;
	s12 =	sadd.s32 $0x4, s12;
	[tilespmem:s25+$0x1CB8] =	vst.add.f32.msk $0xffff, v3  }
0x68: {  	v3 =	vld.idx.msk [tilespmem:v0+s17+$0x180 ss:$0x1], $0xffff;
	p2 =	slt.u32 s12, $0x3C  }
0x69: {  	v4 =	vld.idx.msk [tilespmem:v0+s17+$0x0 ss:$0x1], $0xffff  }
0x6a: {  	v5 =	vld.idx.msk [tilespmem:v0+s17+$0x80 ss:$0x1], $0xffff  }
0x6b: {  	v6 =	vld.idx.msk [tilespmem:v0+s17+$0x100 ss:$0x1], $0xffff  }
0x6c: {  	v7 =	vld.idx.msk [tilespmem:v0+s25+$0x170 ss:$0x1], $0xffff  }
0x6d: {  	[tilespmem:s25+$0x1BC8] =	vst.add.f32.msk $0xffff, v2  }
0x6e: {  	[tilespmem:s17+$0x1CD8] =	vst.add.f32.msk $0xffff, v3  }
0x6f: {  	v2 =	vld.idx.msk [tilespmem:v0+s17+$0x190 ss:$0x1], $0xffff  }
0x70: {  	[tilespmem:s17+$0x1B58] =	vst.add.f32.msk $0xffff, v4  }
0x71: {  	[tilespmem:s17+$0x1BD8] =	vst.add.f32.msk $0xffff, v5  }
0x72: {  	[tilespmem:s17+$0x1C58] =	vst.add.f32.msk $0xffff, v6  }
0x73: {  	v3 =	vld.idx.msk [tilespmem:v0+s17+$0x10 ss:$0x1], $0xffff  }
0x74: {  	v4 =	vld.idx.msk [tilespmem:v0+s17+$0x90 ss:$0x1], $0xffff  }
0x75: {  	[tilespmem:s17+$0x1CE8] =	vst.add.f32.msk $0xffff, v2  }
0x76: {  	v2 =	vld.idx.msk [tilespmem:v0+s17+$0x1A0 ss:$0x1], $0xffff  }
0x77: {  	v5 =	vld.idx.msk [tilespmem:v0+s17+$0x110 ss:$0x1], $0xffff  }
0x78: {  	[tilespmem:s25+$0x1C48] =	vst.add.f32.msk $0xffff, v1  }
0x79: {  	[tilespmem:s17+$0x1B68] =	vst.add.f32.msk $0xffff, v3  }
0x7a: {  	[tilespmem:s17+$0x1BE8] =	vst.add.f32.msk $0xffff, v4  }
0x7b: {  	v1 =	vld.idx.msk [tilespmem:v0+s17+$0x20 ss:$0x1], $0xffff  }
0x7c: {  	[tilespmem:s17+$0x1CF8] =	vst.add.f32.msk $0xffff, v2  }
0x7d: {  	v2 =	vld.idx.msk [tilespmem:v0+s17+$0x1B0 ss:$0x1], $0xffff  }
0x7e: {  	[tilespmem:s17+$0x1C68] =	vst.add.f32.msk $0xffff, v5  }
0x7f: {  	v3 =	vld.idx.msk [tilespmem:v0+s17+$0xA0 ss:$0x1], $0xffff  }
0x80: {  	v4 =	vld.idx.msk [tilespmem:v0+s17+$0x120 ss:$0x1], $0xffff  }
0x81: {  	[tilespmem:s17+$0x1B78] =	vst.add.f32.msk $0xffff, v1  }
0x82: {  	v1 =	vld.idx.msk [tilespmem:v0+s17+$0x30 ss:$0x1], $0xffff  }
0x83: {  	[tilespmem:s17+$0x1D08] =	vst.add.f32.msk $0xffff, v2  }
0x84: {  	v2 =	vld.idx.msk [tilespmem:v0+s17+$0x1C0 ss:$0x1], $0xffff  }
0x85: {  	[tilespmem:s17+$0x1BF8] =	vst.add.f32.msk $0xffff, v3  }
0x86: {  	[tilespmem:s17+$0x1C78] =	vst.add.f32.msk $0xffff, v4  }
0x87: {  	v3 =	vld.idx.msk [tilespmem:v0+s17+$0xB0 ss:$0x1], $0xffff  }
0x88: {  	v4 =	vld.idx.msk [tilespmem:v0+s17+$0x130 ss:$0x1], $0xffff  }
0x89: {  	[tilespmem:s17+$0x1B88] =	vst.add.f32.msk $0xffff, v1  }
0x8a: {  	[tilespmem:s17+$0x1D18] =	vst.add.f32.msk $0xffff, v2  }
0x8b: {  	v1 =	vld.idx.msk [tilespmem:v0+s17+$0x1D0 ss:$0x1], $0xffff  }
0x8c: {  	v2 =	vld.idx.msk [tilespmem:v0+s17+$0x40 ss:$0x1], $0xffff  }
0x8d: {  	[tilespmem:s17+$0x1C08] =	vst.add.f32.msk $0xffff, v3  }
0x8e: {  	[tilespmem:s17+$0x1C88] =	vst.add.f32.msk $0xffff, v4  }
0x8f: {  	v3 =	vld.idx.msk [tilespmem:v0+s17+$0xC0 ss:$0x1], $0xffff  }
0x90: {  	v4 =	vld.idx.msk [tilespmem:v0+s17+$0x140 ss:$0x1], $0xffff  }
0x91: {  	[tilespmem:s17+$0x1D28] =	vst.add.f32.msk $0xffff, v1  }
0x92: {  	v1 =	vld.idx.msk [tilespmem:v0+s17+$0x1E0 ss:$0x1], $0xffff  }
0x93: {  	[tilespmem:s17+$0x1B98] =	vst.add.f32.msk $0xffff, v2  }
0x94: {  	v2 =	vld.idx.msk [tilespmem:v0+s17+$0x50 ss:$0x1], $0xffff  }
0x95: {  	[tilespmem:s17+$0x1C18] =	vst.add.f32.msk $0xffff, v3  }
0x96: {  	[tilespmem:s17+$0x1C98] =	vst.add.f32.msk $0xffff, v4  }
0x97: {  	v3 =	vld.idx.msk [tilespmem:v0+s17+$0xD0 ss:$0x1], $0xffff  }
0x98: {  	[tilespmem:s17+$0x1D38] =	vst.add.f32.msk $0xffff, v1  }
0x99: {  	v1 =	vld.idx.msk [tilespmem:v0+s17+$0x1F0 ss:$0x1], $0xffff  }
0x9a: {  	v4 =	vld.idx.msk [tilespmem:v0+s17+$0x150 ss:$0x1], $0xffff  }
0x9b: {  	[tilespmem:s17+$0x1BA8] =	vst.add.f32.msk $0xffff, v2  }
0x9c: {  	v2 =	vld.idx.msk [tilespmem:v0+s17+$0x60 ss:$0x1], $0xffff  }
0x9d: {  	[tilespmem:s17+$0x1C28] =	vst.add.f32.msk $0xffff, v3  }
0x9e: {  	v5 =	vld.idx.msk [tilespmem:v0+s17+$0xE0 ss:$0x1], $0xffff  }
0x9f: {  	[tilespmem:s17+$0x1D48] =	vst.add.f32.msk $0xffff, v1  }
0xa0: {  	[tilespmem:s17+$0x1CA8] =	vst.add.f32.msk $0xffff, v4  }
0xa1: {  	v3 =	vld.idx.msk [tilespmem:v0+s17+$0x160 ss:$0x1], $0xffff  }
.Ltmp0:
0xa2: {  	[tilespmem:s17+$0x1BB8] =	vst.add.f32.msk $0xffff, v2;
	(pc) =	sbr.rel @p2 .LBB2_3-.Ltmp0, $4  }
0xa3: {  	v2 =	vld.idx.msk [tilespmem:v0+s17+$0x70 ss:$0x1], $0xffff  }
0xa4: {  	[tilespmem:s17+$0x1C38] =	vst.add.f32.msk $0xffff, v5  }
0xa5: {  	v1 =	vld.idx.msk [tilespmem:v0+s17+$0xF0 ss:$0x1], $0xffff  }
0xa6: {  	s13 =	sadd.s32 $0x800, s13;
	[tilespmem:s25+$0x1CC8] =	vst.add.f32.msk $0xffff, v7;
	s25 =	smov.u32 s17  }
0xa7: {  	_ =	sdelay $0x2  }
0xa8: {  	[tilespmem:s25+$0x1CB8] =	vst.add.f32.msk $0xffff, v3  }
0xa9: {  	v0 =	vld.idx.msk [tilespmem:v0+s25+$0x170 ss:$0x1], $0xffff;
	_ =	sdelay $0x2  }
0xaa: {  	s12 =	sadd.s32 s3, s24;
	[tilespmem:s25+$0x1BC8] =	vst.add.f32.msk $0xffff, v2  }
0xab: {  	s12 =	sshll.u32 s12, $0x4;
	[tilespmem:s25+$0x1C48] =	vst.add.f32.msk $0xffff, v1  }
0xac: {  	s13 =	simm.s32 $0x1B58;
	s12 =	sadd.s32 s1, s12;
	[tilespmem:s25+$0x1CC8] =	vst.add.f32.msk $0xffff, v0  }
0xad: {  	[hbm4b:s12+s4] =	stream.linear.scatter [tilespmem:s13], [sflag:$0x6], $0x2000, $0x38;
	[tilespmem:$0x11B58] =	vst v63  }
0xae: {  	_ =	swait.ge [sflag:s18], $0x2000  }
0xaf: {  	[sflag:s18] =	ssyncset.done $0x0  }
0xb0: {  	v0 =	vmov s26;
	s12 =	simm.s32 @!p1 $0x9;
	[sflag:s18] =	ssyncadd.s32 $0xFFFFE000  }
0xb1: {  	s11 =	sor.u32 $0x3, s11;
	_ =	swait.ge @!p1 [sflag:s12], $0x2000  }
0xb2: {  	s11 =	sshll.u32 s11, $0x6;
	[sflag:s12] =	ssyncset.done @!p1 $0x0  }
0xb3: {  	s26 =	sand.u32 $0x3FFFFFC0, s11;
	s25 =	simm.s32 $0x0;
	[sflag:s12] =	ssyncadd.s32 @!p1 $0xFFFFE000  }
0xb4: {  	[tilespmem:s19], [sflag:$0x5] =	stream.indirect.gather [spmem:s2], $0x80, s26, s16, $0xb8;
	[tilespmem:$0x11B58] =	vst v63  }
0xb5: {  	v1 =	vld.idx.msk [tilespmem:v0+s25+$0x180 ss:$0x1], $0xffff  }
0xb6: {  	v2 =	vld.idx.msk [tilespmem:v0+s25+$0x0 ss:$0x1], $0xffff  }
0xb7: {  	v3 =	vld.idx.msk [tilespmem:v0+s25+$0x80 ss:$0x1], $0xffff;
	_ =	sdelay $0x1  }
0xb8: {  	v4 =	vld.idx.msk [tilespmem:v0+s25+$0x100 ss:$0x1], $0xffff  }
0xb9: {  	[tilespmem:s25+$0x3CD8] =	vst.add.f32.msk $0xffff, v1  }
0xba: {  	[tilespmem:s25+$0x3B58] =	vst.add.f32.msk $0xffff, v2  }
0xbb: {  	[tilespmem:s25+$0x3BD8] =	vst.add.f32.msk $0xffff, v3  }
0xbc: {  	v1 =	vld.idx.msk [tilespmem:v0+s25+$0x190 ss:$0x1], $0xffff  }
0xbd: {  	v2 =	vld.idx.msk [tilespmem:v0+s25+$0x10 ss:$0x1], $0xffff  }
0xbe: {  	v3 =	vld.idx.msk [tilespmem:v0+s25+$0x90 ss:$0x1], $0xffff  }
0xbf: {  	[tilespmem:s25+$0x3C58] =	vst.add.f32.msk $0xffff, v4  }
0xc0: {  	v4 =	vld.idx.msk [tilespmem:v0+s25+$0x110 ss:$0x1], $0xffff  }
0xc1: {  	[tilespmem:s25+$0x3CE8] =	vst.add.f32.msk $0xffff, v1  }
0xc2: {  	[tilespmem:s25+$0x3B68] =	vst.add.f32.msk $0xffff, v2  }
0xc3: {  	[tilespmem:s25+$0x3BE8] =	vst.add.f32.msk $0xffff, v3  }
0xc4: {  	v1 =	vld.idx.msk [tilespmem:v0+s25+$0x1A0 ss:$0x1], $0xffff  }
0xc5: {  	v2 =	vld.idx.msk [tilespmem:v0+s25+$0x20 ss:$0x1], $0xffff  }
0xc6: {  	v3 =	vld.idx.msk [tilespmem:v0+s25+$0xA0 ss:$0x1], $0xffff  }
0xc7: {  	[tilespmem:s25+$0x3C68] =	vst.add.f32.msk $0xffff, v4  }
0xc8: {  	v4 =	vld.idx.msk [tilespmem:v0+s25+$0x120 ss:$0x1], $0xffff  }
0xc9: {  	[tilespmem:s25+$0x3CF8] =	vst.add.f32.msk $0xffff, v1  }
0xca: {  	[tilespmem:s25+$0x3B78] =	vst.add.f32.msk $0xffff, v2  }
0xcb: {  	[tilespmem:s25+$0x3BF8] =	vst.add.f32.msk $0xffff, v3  }
0xcc: {  	v1 =	vld.idx.msk [tilespmem:v0+s25+$0x1B0 ss:$0x1], $0xffff  }
0xcd: {  	v2 =	vld.idx.msk [tilespmem:v0+s25+$0x30 ss:$0x1], $0xffff  }
0xce: {  	v3 =	vld.idx.msk [tilespmem:v0+s25+$0xB0 ss:$0x1], $0xffff  }
0xcf: {  	[tilespmem:s25+$0x3C78] =	vst.add.f32.msk $0xffff, v4  }
0xd0: {  	v4 =	vld.idx.msk [tilespmem:v0+s25+$0x130 ss:$0x1], $0xffff  }
0xd1: {  	[tilespmem:s25+$0x3D08] =	vst.add.f32.msk $0xffff, v1  }
0xd2: {  	[tilespmem:s25+$0x3B88] =	vst.add.f32.msk $0xffff, v2  }
0xd3: {  	[tilespmem:s25+$0x3C08] =	vst.add.f32.msk $0xffff, v3  }
0xd4: {  	v1 =	vld.idx.msk [tilespmem:v0+s25+$0x1C0 ss:$0x1], $0xffff  }
0xd5: {  	v2 =	vld.idx.msk [tilespmem:v0+s25+$0x40 ss:$0x1], $0xffff  }
0xd6: {  	v3 =	vld.idx.msk [tilespmem:v0+s25+$0xC0 ss:$0x1], $0xffff  }
0xd7: {  	[tilespmem:s25+$0x3C88] =	vst.add.f32.msk $0xffff, v4  }
0xd8: {  	v4 =	vld.idx.msk [tilespmem:v0+s25+$0x140 ss:$0x1], $0xffff  }
0xd9: {  	[tilespmem:s25+$0x3D18] =	vst.add.f32.msk $0xffff, v1  }
0xda: {  	[tilespmem:s25+$0x3B98] =	vst.add.f32.msk $0xffff, v2  }
0xdb: {  	[tilespmem:s25+$0x3C18] =	vst.add.f32.msk $0xffff, v3  }
0xdc: {  	v1 =	vld.idx.msk [tilespmem:v0+s25+$0x1D0 ss:$0x1], $0xffff  }
0xdd: {  	v2 =	vld.idx.msk [tilespmem:v0+s25+$0x50 ss:$0x1], $0xffff  }
0xde: {  	[tilespmem:s25+$0x3C98] =	vst.add.f32.msk $0xffff, v4  }
0xdf: {  	v3 =	vld.idx.msk [tilespmem:v0+s25+$0xD0 ss:$0x1], $0xffff  }
0xe0: {  	v4 =	vld.idx.msk [tilespmem:v0+s25+$0x150 ss:$0x1], $0xffff  }
0xe1: {  	[tilespmem:s25+$0x3D28] =	vst.add.f32.msk $0xffff, v1  }
0xe2: {  	[tilespmem:s25+$0x3BA8] =	vst.add.f32.msk $0xffff, v2  }
0xe3: {  	v1 =	vld.idx.msk [tilespmem:v0+s25+$0x1E0 ss:$0x1], $0xffff  }
0xe4: {  	[tilespmem:s25+$0x3C28] =	vst.add.f32.msk $0xffff, v3  }
0xe5: {  	[tilespmem:s25+$0x3CA8] =	vst.add.f32.msk $0xffff, v4  }
0xe6: {  	v2 =	vld.idx.msk [tilespmem:v0+s25+$0x60 ss:$0x1], $0xffff  }
0xe7: {  	v5 =	vld.idx.msk [tilespmem:v0+s25+$0xE0 ss:$0x1], $0xffff  }
0xe8: {  	[tilespmem:s25+$0x3D38] =	vst.add.f32.msk $0xffff, v1  }
0xe9: {  	v1 =	vld.idx.msk [tilespmem:v0+s25+$0x1F0 ss:$0x1], $0xffff  }
0xea: {  	v3 =	vld.idx.msk [tilespmem:v0+s25+$0x160 ss:$0x1], $0xffff  }
0xeb: {  	[tilespmem:s25+$0x3BB8] =	vst.add.f32.msk $0xffff, v2  }
0xec: {  	[tilespmem:s25+$0x3C38] =	vst.add.f32.msk $0xffff, v5  }
0xed: {  	v2 =	vld.idx.msk [tilespmem:v0+s25+$0x70 ss:$0x1], $0xffff  }
0xee: {  	[tilespmem:s25+$0x3D48] =	vst.add.f32.msk $0xffff, v1  }
0xef: {  	s24 =	sor.u32 $0x40, s24;
	s13 =	simm.s32 $0x800;
	s12 =	simm.s32 $0x0;
	v1 =	vld.idx.msk [tilespmem:v0+s25+$0xF0 ss:$0x1], $0xffff  }
.LBB2_5:
0xf0: {  	s17 =	sshra.s32 s13, $0x2;
	s12 =	sadd.s32 $0x4, s12;
	[tilespmem:s25+$0x3CB8] =	vst.add.f32.msk $0xffff, v3  }
0xf1: {  	v3 =	vld.idx.msk [tilespmem:v0+s17+$0x180 ss:$0x1], $0xffff;
	p1 =	slt.u32 s12, $0x3C  }
0xf2: {  	v4 =	vld.idx.msk [tilespmem:v0+s17+$0x0 ss:$0x1], $0xffff  }
0xf3: {  	v5 =	vld.idx.msk [tilespmem:v0+s17+$0x80 ss:$0x1], $0xffff  }
0xf4: {  	v6 =	vld.idx.msk [tilespmem:v0+s17+$0x100 ss:$0x1], $0xffff  }
0xf5: {  	v7 =	vld.idx.msk [tilespmem:v0+s25+$0x170 ss:$0x1], $0xffff  }
0xf6: {  	[tilespmem:s25+$0x3BC8] =	vst.add.f32.msk $0xffff, v2  }
0xf7: {  	[tilespmem:s17+$0x3CD8] =	vst.add.f32.msk $0xffff, v3  }
0xf8: {  	v2 =	vld.idx.msk [tilespmem:v0+s17+$0x190 ss:$0x1], $0xffff  }
0xf9: {  	[tilespmem:s17+$0x3B58] =	vst.add.f32.msk $0xffff, v4  }
0xfa: {  	[tilespmem:s17+$0x3BD8] =	vst.add.f32.msk $0xffff, v5  }
0xfb: {  	[tilespmem:s17+$0x3C58] =	vst.add.f32.msk $0xffff, v6  }
0xfc: {  	v3 =	vld.idx.msk [tilespmem:v0+s17+$0x10 ss:$0x1], $0xffff  }
0xfd: {  	v4 =	vld.idx.msk [tilespmem:v0+s17+$0x90 ss:$0x1], $0xffff  }
0xfe: {  	[tilespmem:s17+$0x3CE8] =	vst.add.f32.msk $0xffff, v2  }
0xff: {  	v2 =	vld.idx.msk [tilespmem:v0+s17+$0x1A0 ss:$0x1], $0xffff  }
0x100: {  	v5 =	vld.idx.msk [tilespmem:v0+s17+$0x110 ss:$0x1], $0xffff  }
0x101: {  	[tilespmem:s25+$0x3C48] =	vst.add.f32.msk $0xffff, v1  }
0x102: {  	[tilespmem:s17+$0x3B68] =	vst.add.f32.msk $0xffff, v3  }
0x103: {  	[tilespmem:s17+$0x3BE8] =	vst.add.f32.msk $0xffff, v4  }
0x104: {  	v1 =	vld.idx.msk [tilespmem:v0+s17+$0x20 ss:$0x1], $0xffff  }
0x105: {  	[tilespmem:s17+$0x3CF8] =	vst.add.f32.msk $0xffff, v2  }
0x106: {  	v2 =	vld.idx.msk [tilespmem:v0+s17+$0x1B0 ss:$0x1], $0xffff  }
0x107: {  	[tilespmem:s17+$0x3C68] =	vst.add.f32.msk $0xffff, v5  }
0x108: {  	v3 =	vld.idx.msk [tilespmem:v0+s17+$0xA0 ss:$0x1], $0xffff  }
0x109: {  	v4 =	vld.idx.msk [tilespmem:v0+s17+$0x120 ss:$0x1], $0xffff  }
0x10a: {  	[tilespmem:s17+$0x3B78] =	vst.add.f32.msk $0xffff, v1  }
0x10b: {  	v1 =	vld.idx.msk [tilespmem:v0+s17+$0x30 ss:$0x1], $0xffff  }
0x10c: {  	[tilespmem:s17+$0x3D08] =	vst.add.f32.msk $0xffff, v2  }
0x10d: {  	v2 =	vld.idx.msk [tilespmem:v0+s17+$0x1C0 ss:$0x1], $0xffff  }
0x10e: {  	[tilespmem:s17+$0x3BF8] =	vst.add.f32.msk $0xffff, v3  }
0x10f: {  	[tilespmem:s17+$0x3C78] =	vst.add.f32.msk $0xffff, v4  }
0x110: {  	v3 =	vld.idx.msk [tilespmem:v0+s17+$0xB0 ss:$0x1], $0xffff  }
0x111: {  	v4 =	vld.idx.msk [tilespmem:v0+s17+$0x130 ss:$0x1], $0xffff  }
0x112: {  	[tilespmem:s17+$0x3B88] =	vst.add.f32.msk $0xffff, v1  }
0x113: {  	[tilespmem:s17+$0x3D18] =	vst.add.f32.msk $0xffff, v2  }
0x114: {  	v1 =	vld.idx.msk [tilespmem:v0+s17+$0x1D0 ss:$0x1], $0xffff  }
0x115: {  	v2 =	vld.idx.msk [tilespmem:v0+s17+$0x40 ss:$0x1], $0xffff  }
0x116: {  	[tilespmem:s17+$0x3C08] =	vst.add.f32.msk $0xffff, v3  }
0x117: {  	[tilespmem:s17+$0x3C88] =	vst.add.f32.msk $0xffff, v4  }
0x118: {  	v3 =	vld.idx.msk [tilespmem:v0+s17+$0xC0 ss:$0x1], $0xffff  }
0x119: {  	v4 =	vld.idx.msk [tilespmem:v0+s17+$0x140 ss:$0x1], $0xffff  }
0x11a: {  	[tilespmem:s17+$0x3D28] =	vst.add.f32.msk $0xffff, v1  }
0x11b: {  	v1 =	vld.idx.msk [tilespmem:v0+s17+$0x1E0 ss:$0x1], $0xffff  }
0x11c: {  	[tilespmem:s17+$0x3B98] =	vst.add.f32.msk $0xffff, v2  }
0x11d: {  	v2 =	vld.idx.msk [tilespmem:v0+s17+$0x50 ss:$0x1], $0xffff  }
0x11e: {  	[tilespmem:s17+$0x3C18] =	vst.add.f32.msk $0xffff, v3  }
0x11f: {  	[tilespmem:s17+$0x3C98] =	vst.add.f32.msk $0xffff, v4  }
0x120: {  	v3 =	vld.idx.msk [tilespmem:v0+s17+$0xD0 ss:$0x1], $0xffff  }
0x121: {  	[tilespmem:s17+$0x3D38] =	vst.add.f32.msk $0xffff, v1  }
0x122: {  	v1 =	vld.idx.msk [tilespmem:v0+s17+$0x1F0 ss:$0x1], $0xffff  }
0x123: {  	v4 =	vld.idx.msk [tilespmem:v0+s17+$0x150 ss:$0x1], $0xffff  }
0x124: {  	[tilespmem:s17+$0x3BA8] =	vst.add.f32.msk $0xffff, v2  }
0x125: {  	v2 =	vld.idx.msk [tilespmem:v0+s17+$0x60 ss:$0x1], $0xffff  }
0x126: {  	[tilespmem:s17+$0x3C28] =	vst.add.f32.msk $0xffff, v3  }
0x127: {  	v5 =	vld.idx.msk [tilespmem:v0+s17+$0xE0 ss:$0x1], $0xffff  }
0x128: {  	[tilespmem:s17+$0x3D48] =	vst.add.f32.msk $0xffff, v1  }
0x129: {  	[tilespmem:s17+$0x3CA8] =	vst.add.f32.msk $0xffff, v4  }
0x12a: {  	v3 =	vld.idx.msk [tilespmem:v0+s17+$0x160 ss:$0x1], $0xffff  }
.Ltmp1:
0x12b: {  	[tilespmem:s17+$0x3BB8] =	vst.add.f32.msk $0xffff, v2;
	(pc) =	sbr.rel @p1 .LBB2_5-.Ltmp1, $4  }
0x12c: {  	v2 =	vld.idx.msk [tilespmem:v0+s17+$0x70 ss:$0x1], $0xffff  }
0x12d: {  	[tilespmem:s17+$0x3C38] =	vst.add.f32.msk $0xffff, v5  }
0x12e: {  	v1 =	vld.idx.msk [tilespmem:v0+s17+$0xF0 ss:$0x1], $0xffff  }
0x12f: {  	s13 =	sadd.s32 $0x800, s13;
	[tilespmem:s25+$0x3CC8] =	vst.add.f32.msk $0xffff, v7;
	s25 =	smov.u32 s17  }
0x130: {  	_ =	sdelay $0x2  }
0x131: {  	[tilespmem:s25+$0x3CB8] =	vst.add.f32.msk $0xffff, v3  }
0x132: {  	v0 =	vld.idx.msk [tilespmem:v0+s25+$0x170 ss:$0x1], $0xffff;
	_ =	sdelay $0x2  }
0x133: {  	s12 =	sadd.s32 s3, s24;
	[tilespmem:s25+$0x3BC8] =	vst.add.f32.msk $0xffff, v2  }
0x134: {  	s12 =	sshll.u32 s12, $0x4;
	[tilespmem:s25+$0x3C48] =	vst.add.f32.msk $0xffff, v1  }
0x135: {  	s13 =	simm.s32 $0x3B58;
	s12 =	sadd.s32 s1, s12;
	[tilespmem:s25+$0x3CC8] =	vst.add.f32.msk $0xffff, v0  }
0x136: {  	[hbm4b:s12+s4] =	stream.linear.scatter [tilespmem:s13], [sflag:$0x7], $0x2000, $0x38;
	[tilespmem:$0x11B58] =	vst v63  }
0x137: {  	_ =	swait.ge [sflag:s20], $0x2000  }
0x138: {  	[sflag:s20] =	ssyncset.done $0x0  }
0x139: {  	p1 =	seq.s32 s7, $0x18;
	v0 =	vmov s14;
	[sflag:s20] =	ssyncadd.s32 $0xFFFFE000  }
0x13a: {  	s24 =	simm.s32 $0x0;
	s12 =	sshll.u32 @!p1 s7, $0x8;
	_ =	swait.ge [sflag:s21], $0x2000  }
0x13b: {  	s17 =	simm.s32 @!p1 $0x1B58;
	s14 =	sand.u32 @!p1 $0x3FFFFF00, s12;
	[sflag:s21] =	ssyncset.done $0x0  }
0x13c: {  	s13 =	simm.s32 @!p1 $0x40;
	s12 =	sadd.s32 @!p1 $0x100, s14;
	[sflag:s21] =	ssyncadd.s32 $0xFFFFE000  }
0x13d: {  	[tilespmem:s17], [sflag:$0x2] =	stream.indirect.gather @!p1 [spmem:s2], $0x80, s12, s13, $0xb8;
	[tilespmem:$0x11B58] =	vst v63  }
0x13e: {  	v1 =	vld.idx.msk [tilespmem:v0+s24+$0x180 ss:$0x1], $0xffff  }
0x13f: {  	v2 =	vld.idx.msk [tilespmem:v0+s24+$0x0 ss:$0x1], $0xffff  }
0x140: {  	v3 =	vld.idx.msk [tilespmem:v0+s24+$0x80 ss:$0x1], $0xffff;
	_ =	sdelay $0x1  }
0x141: {  	v4 =	vld.idx.msk [tilespmem:v0+s24+$0x100 ss:$0x1], $0xffff  }
0x142: {  	[tilespmem:s24+$0x5CD8] =	vst.add.f32.msk $0xffff, v1  }
0x143: {  	[tilespmem:s24+$0x5B58] =	vst.add.f32.msk $0xffff, v2  }
0x144: {  	[tilespmem:s24+$0x5BD8] =	vst.add.f32.msk $0xffff, v3  }
0x145: {  	v1 =	vld.idx.msk [tilespmem:v0+s24+$0x190 ss:$0x1], $0xffff  }
0x146: {  	v2 =	vld.idx.msk [tilespmem:v0+s24+$0x10 ss:$0x1], $0xffff  }
0x147: {  	v3 =	vld.idx.msk [tilespmem:v0+s24+$0x90 ss:$0x1], $0xffff  }
0x148: {  	[tilespmem:s24+$0x5C58] =	vst.add.f32.msk $0xffff, v4  }
0x149: {  	v4 =	vld.idx.msk [tilespmem:v0+s24+$0x110 ss:$0x1], $0xffff  }
0x14a: {  	[tilespmem:s24+$0x5CE8] =	vst.add.f32.msk $0xffff, v1  }
0x14b: {  	[tilespmem:s24+$0x5B68] =	vst.add.f32.msk $0xffff, v2  }
0x14c: {  	[tilespmem:s24+$0x5BE8] =	vst.add.f32.msk $0xffff, v3  }
0x14d: {  	v1 =	vld.idx.msk [tilespmem:v0+s24+$0x1A0 ss:$0x1], $0xffff  }
0x14e: {  	v2 =	vld.idx.msk [tilespmem:v0+s24+$0x20 ss:$0x1], $0xffff  }
0x14f: {  	v3 =	vld.idx.msk [tilespmem:v0+s24+$0xA0 ss:$0x1], $0xffff  }
0x150: {  	[tilespmem:s24+$0x5C68] =	vst.add.f32.msk $0xffff, v4  }
0x151: {  	v4 =	vld.idx.msk [tilespmem:v0+s24+$0x120 ss:$0x1], $0xffff  }
0x152: {  	[tilespmem:s24+$0x5CF8] =	vst.add.f32.msk $0xffff, v1  }
0x153: {  	[tilespmem:s24+$0x5B78] =	vst.add.f32.msk $0xffff, v2  }
0x154: {  	[tilespmem:s24+$0x5BF8] =	vst.add.f32.msk $0xffff, v3  }
0x155: {  	v1 =	vld.idx.msk [tilespmem:v0+s24+$0x1B0 ss:$0x1], $0xffff  }
0x156: {  	v2 =	vld.idx.msk [tilespmem:v0+s24+$0x30 ss:$0x1], $0xffff  }
0x157: {  	v3 =	vld.idx.msk [tilespmem:v0+s24+$0xB0 ss:$0x1], $0xffff  }
0x158: {  	[tilespmem:s24+$0x5C78] =	vst.add.f32.msk $0xffff, v4  }
0x159: {  	v4 =	vld.idx.msk [tilespmem:v0+s24+$0x130 ss:$0x1], $0xffff  }
0x15a: {  	[tilespmem:s24+$0x5D08] =	vst.add.f32.msk $0xffff, v1  }
0x15b: {  	[tilespmem:s24+$0x5B88] =	vst.add.f32.msk $0xffff, v2  }
0x15c: {  	[tilespmem:s24+$0x5C08] =	vst.add.f32.msk $0xffff, v3  }
0x15d: {  	v1 =	vld.idx.msk [tilespmem:v0+s24+$0x1C0 ss:$0x1], $0xffff  }
0x15e: {  	v2 =	vld.idx.msk [tilespmem:v0+s24+$0x40 ss:$0x1], $0xffff  }
0x15f: {  	v3 =	vld.idx.msk [tilespmem:v0+s24+$0xC0 ss:$0x1], $0xffff  }
0x160: {  	[tilespmem:s24+$0x5C88] =	vst.add.f32.msk $0xffff, v4  }
0x161: {  	v4 =	vld.idx.msk [tilespmem:v0+s24+$0x140 ss:$0x1], $0xffff  }
0x162: {  	[tilespmem:s24+$0x5D18] =	vst.add.f32.msk $0xffff, v1  }
0x163: {  	[tilespmem:s24+$0x5B98] =	vst.add.f32.msk $0xffff, v2  }
0x164: {  	[tilespmem:s24+$0x5C18] =	vst.add.f32.msk $0xffff, v3  }
0x165: {  	v1 =	vld.idx.msk [tilespmem:v0+s24+$0x1D0 ss:$0x1], $0xffff  }
0x166: {  	v2 =	vld.idx.msk [tilespmem:v0+s24+$0x50 ss:$0x1], $0xffff  }
0x167: {  	[tilespmem:s24+$0x5C98] =	vst.add.f32.msk $0xffff, v4  }
0x168: {  	v3 =	vld.idx.msk [tilespmem:v0+s24+$0xD0 ss:$0x1], $0xffff  }
0x169: {  	v4 =	vld.idx.msk [tilespmem:v0+s24+$0x150 ss:$0x1], $0xffff  }
0x16a: {  	[tilespmem:s24+$0x5D28] =	vst.add.f32.msk $0xffff, v1  }
0x16b: {  	[tilespmem:s24+$0x5BA8] =	vst.add.f32.msk $0xffff, v2  }
0x16c: {  	v1 =	vld.idx.msk [tilespmem:v0+s24+$0x1E0 ss:$0x1], $0xffff  }
0x16d: {  	[tilespmem:s24+$0x5C28] =	vst.add.f32.msk $0xffff, v3  }
0x16e: {  	[tilespmem:s24+$0x5CA8] =	vst.add.f32.msk $0xffff, v4  }
0x16f: {  	v2 =	vld.idx.msk [tilespmem:v0+s24+$0x60 ss:$0x1], $0xffff  }
0x170: {  	v5 =	vld.idx.msk [tilespmem:v0+s24+$0xE0 ss:$0x1], $0xffff  }
0x171: {  	[tilespmem:s24+$0x5D38] =	vst.add.f32.msk $0xffff, v1  }
0x172: {  	v1 =	vld.idx.msk [tilespmem:v0+s24+$0x1F0 ss:$0x1], $0xffff  }
0x173: {  	v3 =	vld.idx.msk [tilespmem:v0+s24+$0x160 ss:$0x1], $0xffff  }
0x174: {  	[tilespmem:s24+$0x5BB8] =	vst.add.f32.msk $0xffff, v2  }
0x175: {  	[tilespmem:s24+$0x5C38] =	vst.add.f32.msk $0xffff, v5  }
0x176: {  	v2 =	vld.idx.msk [tilespmem:v0+s24+$0x70 ss:$0x1], $0xffff  }
0x177: {  	[tilespmem:s24+$0x5D48] =	vst.add.f32.msk $0xffff, v1  }
0x178: {  	s12 =	simm.s32 $0x0;
	s13 =	simm.s32 $0x800;
	v1 =	vld.idx.msk [tilespmem:v0+s24+$0xF0 ss:$0x1], $0xffff  }
.LBB2_7:
0x179: {  	s17 =	sshra.s32 s13, $0x2;
	s12 =	sadd.s32 $0x4, s12;
	[tilespmem:s24+$0x5CB8] =	vst.add.f32.msk $0xffff, v3  }
0x17a: {  	v3 =	vld.idx.msk [tilespmem:v0+s17+$0x180 ss:$0x1], $0xffff;
	p2 =	slt.u32 s12, $0x3C  }
0x17b: {  	v4 =	vld.idx.msk [tilespmem:v0+s17+$0x0 ss:$0x1], $0xffff  }
0x17c: {  	v5 =	vld.idx.msk [tilespmem:v0+s17+$0x80 ss:$0x1], $0xffff  }
0x17d: {  	v6 =	vld.idx.msk [tilespmem:v0+s17+$0x100 ss:$0x1], $0xffff  }
0x17e: {  	v7 =	vld.idx.msk [tilespmem:v0+s24+$0x170 ss:$0x1], $0xffff  }
0x17f: {  	[tilespmem:s24+$0x5BC8] =	vst.add.f32.msk $0xffff, v2  }
0x180: {  	[tilespmem:s17+$0x5CD8] =	vst.add.f32.msk $0xffff, v3  }
0x181: {  	v2 =	vld.idx.msk [tilespmem:v0+s17+$0x190 ss:$0x1], $0xffff  }
0x182: {  	[tilespmem:s17+$0x5B58] =	vst.add.f32.msk $0xffff, v4  }
0x183: {  	[tilespmem:s17+$0x5BD8] =	vst.add.f32.msk $0xffff, v5  }
0x184: {  	[tilespmem:s17+$0x5C58] =	vst.add.f32.msk $0xffff, v6  }
0x185: {  	v3 =	vld.idx.msk [tilespmem:v0+s17+$0x10 ss:$0x1], $0xffff  }
0x186: {  	v4 =	vld.idx.msk [tilespmem:v0+s17+$0x90 ss:$0x1], $0xffff  }
0x187: {  	[tilespmem:s17+$0x5CE8] =	vst.add.f32.msk $0xffff, v2  }
0x188: {  	v2 =	vld.idx.msk [tilespmem:v0+s17+$0x1A0 ss:$0x1], $0xffff  }
0x189: {  	v5 =	vld.idx.msk [tilespmem:v0+s17+$0x110 ss:$0x1], $0xffff  }
0x18a: {  	[tilespmem:s24+$0x5C48] =	vst.add.f32.msk $0xffff, v1  }
0x18b: {  	[tilespmem:s17+$0x5B68] =	vst.add.f32.msk $0xffff, v3  }
0x18c: {  	[tilespmem:s17+$0x5BE8] =	vst.add.f32.msk $0xffff, v4  }
0x18d: {  	v1 =	vld.idx.msk [tilespmem:v0+s17+$0x20 ss:$0x1], $0xffff  }
0x18e: {  	[tilespmem:s17+$0x5CF8] =	vst.add.f32.msk $0xffff, v2  }
0x18f: {  	v2 =	vld.idx.msk [tilespmem:v0+s17+$0x1B0 ss:$0x1], $0xffff  }
0x190: {  	[tilespmem:s17+$0x5C68] =	vst.add.f32.msk $0xffff, v5  }
0x191: {  	v3 =	vld.idx.msk [tilespmem:v0+s17+$0xA0 ss:$0x1], $0xffff  }
0x192: {  	v4 =	vld.idx.msk [tilespmem:v0+s17+$0x120 ss:$0x1], $0xffff  }
0x193: {  	[tilespmem:s17+$0x5B78] =	vst.add.f32.msk $0xffff, v1  }
0x194: {  	v1 =	vld.idx.msk [tilespmem:v0+s17+$0x30 ss:$0x1], $0xffff  }
0x195: {  	[tilespmem:s17+$0x5D08] =	vst.add.f32.msk $0xffff, v2  }
0x196: {  	v2 =	vld.idx.msk [tilespmem:v0+s17+$0x1C0 ss:$0x1], $0xffff  }
0x197: {  	[tilespmem:s17+$0x5BF8] =	vst.add.f32.msk $0xffff, v3  }
0x198: {  	[tilespmem:s17+$0x5C78] =	vst.add.f32.msk $0xffff, v4  }
0x199: {  	v3 =	vld.idx.msk [tilespmem:v0+s17+$0xB0 ss:$0x1], $0xffff  }
0x19a: {  	v4 =	vld.idx.msk [tilespmem:v0+s17+$0x130 ss:$0x1], $0xffff  }
0x19b: {  	[tilespmem:s17+$0x5B88] =	vst.add.f32.msk $0xffff, v1  }
0x19c: {  	[tilespmem:s17+$0x5D18] =	vst.add.f32.msk $0xffff, v2  }
0x19d: {  	v1 =	vld.idx.msk [tilespmem:v0+s17+$0x1D0 ss:$0x1], $0xffff  }
0x19e: {  	v2 =	vld.idx.msk [tilespmem:v0+s17+$0x40 ss:$0x1], $0xffff  }
0x19f: {  	[tilespmem:s17+$0x5C08] =	vst.add.f32.msk $0xffff, v3  }
0x1a0: {  	[tilespmem:s17+$0x5C88] =	vst.add.f32.msk $0xffff, v4  }
0x1a1: {  	v3 =	vld.idx.msk [tilespmem:v0+s17+$0xC0 ss:$0x1], $0xffff  }
0x1a2: {  	v4 =	vld.idx.msk [tilespmem:v0+s17+$0x140 ss:$0x1], $0xffff  }
0x1a3: {  	[tilespmem:s17+$0x5D28] =	vst.add.f32.msk $0xffff, v1  }
0x1a4: {  	v1 =	vld.idx.msk [tilespmem:v0+s17+$0x1E0 ss:$0x1], $0xffff  }
0x1a5: {  	[tilespmem:s17+$0x5B98] =	vst.add.f32.msk $0xffff, v2  }
0x1a6: {  	v2 =	vld.idx.msk [tilespmem:v0+s17+$0x50 ss:$0x1], $0xffff  }
0x1a7: {  	[tilespmem:s17+$0x5C18] =	vst.add.f32.msk $0xffff, v3  }
0x1a8: {  	[tilespmem:s17+$0x5C98] =	vst.add.f32.msk $0xffff, v4  }
0x1a9: {  	v3 =	vld.idx.msk [tilespmem:v0+s17+$0xD0 ss:$0x1], $0xffff  }
0x1aa: {  	[tilespmem:s17+$0x5D38] =	vst.add.f32.msk $0xffff, v1  }
0x1ab: {  	v1 =	vld.idx.msk [tilespmem:v0+s17+$0x1F0 ss:$0x1], $0xffff  }
0x1ac: {  	v4 =	vld.idx.msk [tilespmem:v0+s17+$0x150 ss:$0x1], $0xffff  }
0x1ad: {  	[tilespmem:s17+$0x5BA8] =	vst.add.f32.msk $0xffff, v2  }
0x1ae: {  	v2 =	vld.idx.msk [tilespmem:v0+s17+$0x60 ss:$0x1], $0xffff  }
0x1af: {  	[tilespmem:s17+$0x5C28] =	vst.add.f32.msk $0xffff, v3  }
0x1b0: {  	v5 =	vld.idx.msk [tilespmem:v0+s17+$0xE0 ss:$0x1], $0xffff  }
0x1b1: {  	[tilespmem:s17+$0x5D48] =	vst.add.f32.msk $0xffff, v1  }
0x1b2: {  	[tilespmem:s17+$0x5CA8] =	vst.add.f32.msk $0xffff, v4  }
0x1b3: {  	v3 =	vld.idx.msk [tilespmem:v0+s17+$0x160 ss:$0x1], $0xffff  }
.Ltmp2:
0x1b4: {  	[tilespmem:s17+$0x5BB8] =	vst.add.f32.msk $0xffff, v2;
	(pc) =	sbr.rel @p2 .LBB2_7-.Ltmp2, $4  }
0x1b5: {  	v2 =	vld.idx.msk [tilespmem:v0+s17+$0x70 ss:$0x1], $0xffff  }
0x1b6: {  	[tilespmem:s17+$0x5C38] =	vst.add.f32.msk $0xffff, v5  }
0x1b7: {  	v1 =	vld.idx.msk [tilespmem:v0+s17+$0xF0 ss:$0x1], $0xffff  }
0x1b8: {  	s13 =	sadd.s32 $0x800, s13;
	[tilespmem:s24+$0x5CC8] =	vst.add.f32.msk $0xffff, v7;
	s24 =	smov.u32 s17  }
0x1b9: {  	_ =	sdelay $0x2  }
0x1ba: {  	[tilespmem:s24+$0x5CB8] =	vst.add.f32.msk $0xffff, v3  }
0x1bb: {  	v0 =	vld.idx.msk [tilespmem:v0+s24+$0x170 ss:$0x1], $0xffff;
	_ =	sdelay $0x2  }
0x1bc: {  	s8 =	sadd.s32 s3, s8;
	[tilespmem:s24+$0x5BC8] =	vst.add.f32.msk $0xffff, v2  }
0x1bd: {  	s8 =	sshll.u32 s8, $0x4;
	[tilespmem:s24+$0x5C48] =	vst.add.f32.msk $0xffff, v1  }
0x1be: {  	s17 =	simm.s32 $0x5B58;
	s8 =	sadd.s32 s1, s8;
	[tilespmem:s24+$0x5CC8] =	vst.add.f32.msk $0xffff, v0  }
0x1bf: {  	[hbm4b:s8+s4] =	stream.linear.scatter [tilespmem:s17], [sflag:$0x8], $0x2000, $0x38;
	[tilespmem:$0x11B58] =	vst v63  }
0x1c0: {  	_ =	swait.ge [sflag:s22], $0x2000  }
0x1c1: {  	[sflag:s22] =	ssyncset.done $0x0  }
0x1c2: {  	[sflag:s22] =	ssyncadd.s32 $0xFFFFE000  }
0x1c3: {  	v0 =	vmov s10;
	_ =	swait.ge [sflag:s23], $0x2000  }
0x1c4: {  	s12 =	simm.s32 @!p1 $0x3B58;
	[sflag:s23] =	ssyncset.done $0x0  }
0x1c5: {  	s10 =	simm.s32 @!p1 $0x40;
	s8 =	sadd.s32 @!p1 $0x140, s14;
	[sflag:s23] =	ssyncadd.s32 $0xFFFFE000  }
0x1c6: {  	[tilespmem:s12], [sflag:$0x3] =	stream.indirect.gather @!p1 [spmem:s2], $0x80, s8, s10, $0xb8;
	[tilespmem:$0x11B58] =	vst v63  }
0x1c7: {  	s8 =	simm.s32 $0x0  }
0x1c8: {  	v1 =	vld.idx.msk [tilespmem:v0+s8+$0x180 ss:$0x1], $0xffff  }
0x1c9: {  	v2 =	vld.idx.msk [tilespmem:v0+s8+$0x0 ss:$0x1], $0xffff  }
0x1ca: {  	v3 =	vld.idx.msk [tilespmem:v0+s8+$0x80 ss:$0x1], $0xffff;
	_ =	sdelay $0x1  }
0x1cb: {  	v4 =	vld.idx.msk [tilespmem:v0+s8+$0x100 ss:$0x1], $0xffff  }
0x1cc: {  	[tilespmem:s8+$0x7CD8] =	vst.add.f32.msk $0xffff, v1  }
0x1cd: {  	[tilespmem:s8+$0x7B58] =	vst.add.f32.msk $0xffff, v2  }
0x1ce: {  	[tilespmem:s8+$0x7BD8] =	vst.add.f32.msk $0xffff, v3  }
0x1cf: {  	v1 =	vld.idx.msk [tilespmem:v0+s8+$0x190 ss:$0x1], $0xffff  }
0x1d0: {  	v2 =	vld.idx.msk [tilespmem:v0+s8+$0x10 ss:$0x1], $0xffff  }
0x1d1: {  	v3 =	vld.idx.msk [tilespmem:v0+s8+$0x90 ss:$0x1], $0xffff  }
0x1d2: {  	[tilespmem:s8+$0x7C58] =	vst.add.f32.msk $0xffff, v4  }
0x1d3: {  	v4 =	vld.idx.msk [tilespmem:v0+s8+$0x110 ss:$0x1], $0xffff  }
0x1d4: {  	[tilespmem:s8+$0x7CE8] =	vst.add.f32.msk $0xffff, v1  }
0x1d5: {  	[tilespmem:s8+$0x7B68] =	vst.add.f32.msk $0xffff, v2  }
0x1d6: {  	[tilespmem:s8+$0x7BE8] =	vst.add.f32.msk $0xffff, v3  }
0x1d7: {  	v1 =	vld.idx.msk [tilespmem:v0+s8+$0x1A0 ss:$0x1], $0xffff  }
0x1d8: {  	v2 =	vld.idx.msk [tilespmem:v0+s8+$0x20 ss:$0x1], $0xffff  }
0x1d9: {  	v3 =	vld.idx.msk [tilespmem:v0+s8+$0xA0 ss:$0x1], $0xffff  }
0x1da: {  	[tilespmem:s8+$0x7C68] =	vst.add.f32.msk $0xffff, v4  }
0x1db: {  	v4 =	vld.idx.msk [tilespmem:v0+s8+$0x120 ss:$0x1], $0xffff  }
0x1dc: {  	[tilespmem:s8+$0x7CF8] =	vst.add.f32.msk $0xffff, v1  }
0x1dd: {  	[tilespmem:s8+$0x7B78] =	vst.add.f32.msk $0xffff, v2  }
0x1de: {  	[tilespmem:s8+$0x7BF8] =	vst.add.f32.msk $0xffff, v3  }
0x1df: {  	v1 =	vld.idx.msk [tilespmem:v0+s8+$0x1B0 ss:$0x1], $0xffff  }
0x1e0: {  	v2 =	vld.idx.msk [tilespmem:v0+s8+$0x30 ss:$0x1], $0xffff  }
0x1e1: {  	v3 =	vld.idx.msk [tilespmem:v0+s8+$0xB0 ss:$0x1], $0xffff  }
0x1e2: {  	[tilespmem:s8+$0x7C78] =	vst.add.f32.msk $0xffff, v4  }
0x1e3: {  	v4 =	vld.idx.msk [tilespmem:v0+s8+$0x130 ss:$0x1], $0xffff  }
0x1e4: {  	[tilespmem:s8+$0x7D08] =	vst.add.f32.msk $0xffff, v1  }
0x1e5: {  	[tilespmem:s8+$0x7B88] =	vst.add.f32.msk $0xffff, v2  }
0x1e6: {  	[tilespmem:s8+$0x7C08] =	vst.add.f32.msk $0xffff, v3  }
0x1e7: {  	v1 =	vld.idx.msk [tilespmem:v0+s8+$0x1C0 ss:$0x1], $0xffff  }
0x1e8: {  	v2 =	vld.idx.msk [tilespmem:v0+s8+$0x40 ss:$0x1], $0xffff  }
0x1e9: {  	v3 =	vld.idx.msk [tilespmem:v0+s8+$0xC0 ss:$0x1], $0xffff  }
0x1ea: {  	[tilespmem:s8+$0x7C88] =	vst.add.f32.msk $0xffff, v4  }
0x1eb: {  	v4 =	vld.idx.msk [tilespmem:v0+s8+$0x140 ss:$0x1], $0xffff  }
0x1ec: {  	[tilespmem:s8+$0x7D18] =	vst.add.f32.msk $0xffff, v1  }
0x1ed: {  	[tilespmem:s8+$0x7B98] =	vst.add.f32.msk $0xffff, v2  }
0x1ee: {  	[tilespmem:s8+$0x7C18] =	vst.add.f32.msk $0xffff, v3  }
0x1ef: {  	v1 =	vld.idx.msk [tilespmem:v0+s8+$0x1D0 ss:$0x1], $0xffff  }
0x1f0: {  	v2 =	vld.idx.msk [tilespmem:v0+s8+$0x50 ss:$0x1], $0xffff  }
0x1f1: {  	[tilespmem:s8+$0x7C98] =	vst.add.f32.msk $0xffff, v4  }
0x1f2: {  	v3 =	vld.idx.msk [tilespmem:v0+s8+$0xD0 ss:$0x1], $0xffff  }
0x1f3: {  	v4 =	vld.idx.msk [tilespmem:v0+s8+$0x150 ss:$0x1], $0xffff  }
0x1f4: {  	[tilespmem:s8+$0x7D28] =	vst.add.f32.msk $0xffff, v1  }
0x1f5: {  	[tilespmem:s8+$0x7BA8] =	vst.add.f32.msk $0xffff, v2  }
0x1f6: {  	v1 =	vld.idx.msk [tilespmem:v0+s8+$0x1E0 ss:$0x1], $0xffff  }
0x1f7: {  	[tilespmem:s8+$0x7C28] =	vst.add.f32.msk $0xffff, v3  }
0x1f8: {  	[tilespmem:s8+$0x7CA8] =	vst.add.f32.msk $0xffff, v4  }
0x1f9: {  	v2 =	vld.idx.msk [tilespmem:v0+s8+$0x60 ss:$0x1], $0xffff  }
0x1fa: {  	v5 =	vld.idx.msk [tilespmem:v0+s8+$0xE0 ss:$0x1], $0xffff  }
0x1fb: {  	[tilespmem:s8+$0x7D38] =	vst.add.f32.msk $0xffff, v1  }
0x1fc: {  	v1 =	vld.idx.msk [tilespmem:v0+s8+$0x1F0 ss:$0x1], $0xffff  }
0x1fd: {  	v3 =	vld.idx.msk [tilespmem:v0+s8+$0x160 ss:$0x1], $0xffff  }
0x1fe: {  	[tilespmem:s8+$0x7BB8] =	vst.add.f32.msk $0xffff, v2  }
0x1ff: {  	[tilespmem:s8+$0x7C38] =	vst.add.f32.msk $0xffff, v5  }
0x200: {  	v2 =	vld.idx.msk [tilespmem:v0+s8+$0x70 ss:$0x1], $0xffff  }
0x201: {  	[tilespmem:s8+$0x7D48] =	vst.add.f32.msk $0xffff, v1  }
0x202: {  	s10 =	simm.s32 $0x0;
	s12 =	simm.s32 $0x800;
	v1 =	vld.idx.msk [tilespmem:v0+s8+$0xF0 ss:$0x1], $0xffff  }
.LBB2_9:
0x203: {  	s13 =	sshra.s32 s12, $0x2;
	s10 =	sadd.s32 $0x4, s10;
	[tilespmem:s8+$0x7CB8] =	vst.add.f32.msk $0xffff, v3  }
0x204: {  	v3 =	vld.idx.msk [tilespmem:v0+s13+$0x180 ss:$0x1], $0xffff;
	p1 =	slt.u32 s10, $0x3C  }
0x205: {  	v4 =	vld.idx.msk [tilespmem:v0+s13+$0x0 ss:$0x1], $0xffff  }
0x206: {  	v5 =	vld.idx.msk [tilespmem:v0+s13+$0x80 ss:$0x1], $0xffff  }
0x207: {  	v6 =	vld.idx.msk [tilespmem:v0+s13+$0x100 ss:$0x1], $0xffff  }
0x208: {  	v7 =	vld.idx.msk [tilespmem:v0+s8+$0x170 ss:$0x1], $0xffff  }
0x209: {  	[tilespmem:s8+$0x7BC8] =	vst.add.f32.msk $0xffff, v2  }
0x20a: {  	[tilespmem:s13+$0x7CD8] =	vst.add.f32.msk $0xffff, v3  }
0x20b: {  	v2 =	vld.idx.msk [tilespmem:v0+s13+$0x190 ss:$0x1], $0xffff  }
0x20c: {  	[tilespmem:s13+$0x7B58] =	vst.add.f32.msk $0xffff, v4  }
0x20d: {  	[tilespmem:s13+$0x7BD8] =	vst.add.f32.msk $0xffff, v5  }
0x20e: {  	[tilespmem:s13+$0x7C58] =	vst.add.f32.msk $0xffff, v6  }
0x20f: {  	v3 =	vld.idx.msk [tilespmem:v0+s13+$0x10 ss:$0x1], $0xffff  }
0x210: {  	v4 =	vld.idx.msk [tilespmem:v0+s13+$0x90 ss:$0x1], $0xffff  }
0x211: {  	[tilespmem:s13+$0x7CE8] =	vst.add.f32.msk $0xffff, v2  }
0x212: {  	v2 =	vld.idx.msk [tilespmem:v0+s13+$0x1A0 ss:$0x1], $0xffff  }
0x213: {  	v5 =	vld.idx.msk [tilespmem:v0+s13+$0x110 ss:$0x1], $0xffff  }
0x214: {  	[tilespmem:s8+$0x7C48] =	vst.add.f32.msk $0xffff, v1  }
0x215: {  	[tilespmem:s13+$0x7B68] =	vst.add.f32.msk $0xffff, v3  }
0x216: {  	[tilespmem:s13+$0x7BE8] =	vst.add.f32.msk $0xffff, v4  }
0x217: {  	v1 =	vld.idx.msk [tilespmem:v0+s13+$0x20 ss:$0x1], $0xffff  }
0x218: {  	[tilespmem:s13+$0x7CF8] =	vst.add.f32.msk $0xffff, v2  }
0x219: {  	v2 =	vld.idx.msk [tilespmem:v0+s13+$0x1B0 ss:$0x1], $0xffff  }
0x21a: {  	[tilespmem:s13+$0x7C68] =	vst.add.f32.msk $0xffff, v5  }
0x21b: {  	v3 =	vld.idx.msk [tilespmem:v0+s13+$0xA0 ss:$0x1], $0xffff  }
0x21c: {  	v4 =	vld.idx.msk [tilespmem:v0+s13+$0x120 ss:$0x1], $0xffff  }
0x21d: {  	[tilespmem:s13+$0x7B78] =	vst.add.f32.msk $0xffff, v1  }
0x21e: {  	v1 =	vld.idx.msk [tilespmem:v0+s13+$0x30 ss:$0x1], $0xffff  }
0x21f: {  	[tilespmem:s13+$0x7D08] =	vst.add.f32.msk $0xffff, v2  }
0x220: {  	v2 =	vld.idx.msk [tilespmem:v0+s13+$0x1C0 ss:$0x1], $0xffff  }
0x221: {  	[tilespmem:s13+$0x7BF8] =	vst.add.f32.msk $0xffff, v3  }
0x222: {  	[tilespmem:s13+$0x7C78] =	vst.add.f32.msk $0xffff, v4  }
0x223: {  	v3 =	vld.idx.msk [tilespmem:v0+s13+$0xB0 ss:$0x1], $0xffff  }
0x224: {  	v4 =	vld.idx.msk [tilespmem:v0+s13+$0x130 ss:$0x1], $0xffff  }
0x225: {  	[tilespmem:s13+$0x7B88] =	vst.add.f32.msk $0xffff, v1  }
0x226: {  	[tilespmem:s13+$0x7D18] =	vst.add.f32.msk $0xffff, v2  }
0x227: {  	v1 =	vld.idx.msk [tilespmem:v0+s13+$0x1D0 ss:$0x1], $0xffff  }
0x228: {  	v2 =	vld.idx.msk [tilespmem:v0+s13+$0x40 ss:$0x1], $0xffff  }
0x229: {  	[tilespmem:s13+$0x7C08] =	vst.add.f32.msk $0xffff, v3  }
0x22a: {  	[tilespmem:s13+$0x7C88] =	vst.add.f32.msk $0xffff, v4  }
0x22b: {  	v3 =	vld.idx.msk [tilespmem:v0+s13+$0xC0 ss:$0x1], $0xffff  }
0x22c: {  	v4 =	vld.idx.msk [tilespmem:v0+s13+$0x140 ss:$0x1], $0xffff  }
0x22d: {  	[tilespmem:s13+$0x7D28] =	vst.add.f32.msk $0xffff, v1  }
0x22e: {  	v1 =	vld.idx.msk [tilespmem:v0+s13+$0x1E0 ss:$0x1], $0xffff  }
0x22f: {  	[tilespmem:s13+$0x7B98] =	vst.add.f32.msk $0xffff, v2  }
0x230: {  	v2 =	vld.idx.msk [tilespmem:v0+s13+$0x50 ss:$0x1], $0xffff  }
0x231: {  	[tilespmem:s13+$0x7C18] =	vst.add.f32.msk $0xffff, v3  }
0x232: {  	[tilespmem:s13+$0x7C98] =	vst.add.f32.msk $0xffff, v4  }
0x233: {  	v3 =	vld.idx.msk [tilespmem:v0+s13+$0xD0 ss:$0x1], $0xffff  }
0x234: {  	[tilespmem:s13+$0x7D38] =	vst.add.f32.msk $0xffff, v1  }
0x235: {  	v1 =	vld.idx.msk [tilespmem:v0+s13+$0x1F0 ss:$0x1], $0xffff  }
0x236: {  	v4 =	vld.idx.msk [tilespmem:v0+s13+$0x150 ss:$0x1], $0xffff  }
0x237: {  	[tilespmem:s13+$0x7BA8] =	vst.add.f32.msk $0xffff, v2  }
0x238: {  	v2 =	vld.idx.msk [tilespmem:v0+s13+$0x60 ss:$0x1], $0xffff  }
0x239: {  	[tilespmem:s13+$0x7C28] =	vst.add.f32.msk $0xffff, v3  }
0x23a: {  	v5 =	vld.idx.msk [tilespmem:v0+s13+$0xE0 ss:$0x1], $0xffff  }
0x23b: {  	[tilespmem:s13+$0x7D48] =	vst.add.f32.msk $0xffff, v1  }
0x23c: {  	[tilespmem:s13+$0x7CA8] =	vst.add.f32.msk $0xffff, v4  }
0x23d: {  	v3 =	vld.idx.msk [tilespmem:v0+s13+$0x160 ss:$0x1], $0xffff  }
.Ltmp3:
0x23e: {  	[tilespmem:s13+$0x7BB8] =	vst.add.f32.msk $0xffff, v2;
	(pc) =	sbr.rel @p1 .LBB2_9-.Ltmp3, $4  }
0x23f: {  	v2 =	vld.idx.msk [tilespmem:v0+s13+$0x70 ss:$0x1], $0xffff  }
0x240: {  	[tilespmem:s13+$0x7C38] =	vst.add.f32.msk $0xffff, v5  }
0x241: {  	v1 =	vld.idx.msk [tilespmem:v0+s13+$0xF0 ss:$0x1], $0xffff  }
0x242: {  	s12 =	sadd.s32 $0x800, s12;
	[tilespmem:s8+$0x7CC8] =	vst.add.f32.msk $0xffff, v7;
	s8 =	smov.u32 s13  }
0x243: {  	_ =	sdelay $0x2  }
0x244: {  	[tilespmem:s8+$0x7CB8] =	vst.add.f32.msk $0xffff, v3  }
0x245: {  	s7 =	sadd.s32 $0x1, s7;
	v0 =	vld.idx.msk [tilespmem:v0+s8+$0x170 ss:$0x1], $0xffff  }
0x246: {  	p1 =	sne.s32 s7, $0x19  }
.Ltmp4:
0x247: {  	s10 =	sadd.s32 s3, s11;
	s6 =	sadd.s32 $0x8000, s6;
	(pc) =	sbr.rel @p1 .LBB2_2-.Ltmp4, $4  }
0x248: {  	s5 =	sadd.s32 $0x100, s5;
	s28 =	sadd.s32 $0x8000, s28;
	s9 =	sadd.s32 $0x100, s9;
	[tilespmem:s8+$0x7BC8] =	vst.add.f32.msk $0xffff, v2  }
0x249: {  	s29 =	sadd.s32 $0x8000, s29;
	s30 =	sadd.s32 $0x100, s30;
	s10 =	sshll.u32 s10, $0x4;
	[tilespmem:s8+$0x7C48] =	vst.add.f32.msk $0xffff, v1  }
0x24a: {  	s31 =	sadd.s32 $0x8000, s31;
	s0 =	sadd.s32 $0x100, s0;
	s26 =	sadd.s32 s1, s10;
	[tilespmem:s8+$0x7CC8] =	vst.add.f32.msk $0xffff, v0  }
0x24b: {  	[hbm4b:s26+s4] =	stream.linear.scatter [tilespmem:s19], [sflag:$0x9], $0x2000, $0x38;
	[tilespmem:$0x11B58] =	vst v63  }
0x24c: {  	s0 =	simm.s32 $0x8  }
0x24d: {  	_ =	swait.ge [sflag:s0], $0x2000  }
0x24e: {  	[sflag:s0] =	ssyncset.done $0x0  }
0x24f: {  	s5 =	simm.s32 $0x9;
	[sflag:s0] =	ssyncadd.s32 $0xFFFFE000  }
0x250: {  	_ =	swait.ge [sflag:s5], $0x2000  }
0x251: {  	s6 =	rddreg [dreg:$0x9]  }
0x252: {  	s31 =	rddreg [dreg:$0x7];
	s6 =	sadd.s32 $0x1, s6  }
0x253: {  	p1 =	sne.s32 s6, s31  }
.Ltmp5:
0x254: {  	_ = 	snop;
	(pc) =	sbr.rel @p1 .LBB2_1-.Ltmp5, $3  }
0x255: {  	_ =	sdelay $0x1  }
0x256: {  	[sflag:s5] =	ssyncset.done $0x0  }
0x257: {  	[sflag:s5] =	ssyncadd.s32 $0xFFFFE000  }
0x258: {  	_ =	sfence.sel $0x180000  }
0x259: {  	[bflag:$0x0] =	sbarrier.arrive $0xFFFF  }
0x25a: {  	_ =	strace $0x90000047  }
0x25b: {  	[bflag:$0x2] =	sbarrier.arrive $0xFFFF  }
0x25c: {  	s0 =	rddreg [dreg:$0x3]  }
0x25d: {  	s0 =	sadd.s32 @!p0 $0x100000, s0  }
0x25e: {  	[sflag:s0] =	ssyncadd.tile.s32 @!p0 $0x1;
	_ =	shalt  }
.Lfunc_end2:
_tile_overlayer_lowered:
.L_overlay_start_2:
0x25f: {  	(tag) =	ssettag $0x2  }
0x260: {  	s0 =	rddreg [dreg:$0x0];
	s2 =	stileid.u32  }
0x261: {  	s1 =	rddreg [dreg:$0x1];
	p0 =	sne.s32 s2, $0x0  }
0x262: {  	s3 =	rddreg [dreg:$0x2];
	[bflag:$0x3] =	sbarrier.arrive $0xFFFF;
	s2 =	simm.s32 @!p0 $0x1C0A  }
0x263: {  	[timem:s3], [sflag:s2] =	dma.local @!p0 [hbm:s0], s1  }
0x264: {  	s0 =	simm.s32 @!p0 $0xA  }
0x265: {  	_ =	swait.ge @!p0 [sflag:s0], s1  }
0x266: {  	s1 =	ssub.s32 @!p0 $0x0, s1;
	[sflag:s0] =	ssyncset.done @!p0 $0x0  }
0x267: {  	[sflag:s0] =	ssyncadd.s32 @!p0 s1  }
0x268: {  	[bflag:$0x3] =	sbarrier.arrive $0xFFFF  }
0x269: {  	_ =	shalt  }

</sc_bundles>
